<compile_context>
chip_gen: v7x
topology: tpu7x:2x2x1
jax: 0.10.2.dev20260603
libtpu: 0.0.44.dev20260713+nightly
codegen_flags: <defaults>
</compile_context>

<pallas_src>
import functools

import jax
import jax.numpy as jnp
from jax import lax
from jax.experimental import pallas as pl
from jax.experimental.pallas import tpu as pltpu
from jax.experimental.pallas import tpu_sc as plsc

NC = 2
NS = 16
NW = NC * NS

CHUNK = 80
CW = 8


def _gather_body(epw, nchunk, x_hbm, src_hbm, xj_hbm, idx_v, rows_v, sem):
    c = lax.axis_index("c")
    s = lax.axis_index("s")
    wid = s * NC + c
    pltpu.sync_copy(src_hbm.at[wid], idx_v)

    def step(j, carry):
        pltpu.async_copy(x_hbm.at[idx_v.at[j]], rows_v, sem).wait()
        pltpu.sync_copy(rows_v, xj_hbm.at[pl.ds(wid * epw + j * CHUNK, CHUNK)])
        return carry

    lax.fori_loop(0, nchunk, step, 0)


def _scatter_body(epw, nchunk, nsub, msg_hbm, dst_hbm, zeros_hbm, czeros_hbm,
                  ones_hbm, parts_hbm, cparts_hbm, acc_sh, cnt_sh, idx_v,
                  rows_v, ones_v):
    c = lax.axis_index("c")
    s = lax.axis_index("s")
    wid = s * NC + c

    r0 = pl.ds(s * nsub, nsub)
    pltpu.sync_copy(zeros_hbm.at[r0], acc_sh.at[r0])
    pltpu.sync_copy(czeros_hbm.at[r0], cnt_sh.at[r0])

    plsc.subcore_barrier()
    pltpu.sync_copy(dst_hbm.at[wid], idx_v)
    pltpu.sync_copy(ones_hbm, ones_v)

    def step(j, carry):
        pltpu.sync_copy(msg_hbm.at[pl.ds(wid * epw + j * CHUNK, CHUNK)],
                        rows_v)
        pltpu.sync_copy(rows_v, acc_sh.at[idx_v.at[j]], add=True)
        pltpu.sync_copy(ones_v, cnt_sh.at[idx_v.at[j]], add=True)
        return carry

    lax.fori_loop(0, nchunk, step, 0)
    plsc.subcore_barrier()

    pltpu.sync_copy(acc_sh.at[r0], parts_hbm.at[c].at[r0])
    pltpu.sync_copy(cnt_sh.at[r0], cparts_hbm.at[c].at[r0])


def _edge_body(vin, vout, be, eT_ref, xj_ref, W1T_ref, b1_ref, W2T_ref,
               b2_ref, out_ref):
    et = eT_ref[...]
    hT = jnp.maximum(
        jnp.dot(W1T_ref[...], et, preferred_element_type=jnp.float32)
        + b1_ref[...], 0.0)
    WeT = jnp.dot(W2T_ref[...], hT.astype(jnp.bfloat16),
                  preferred_element_type=jnp.float32) + b2_ref[...]
    buf = xj_ref[...]
    xjT = jnp.concatenate(
        [buf[:, k * vin:(k + 1) * vin].T for k in range(4)], axis=1)
    acc = jnp.zeros((vout, be), jnp.float32)
    for i in range(vin):
        acc = acc + WeT[i * vout:(i + 1) * vout, :] * xjT[i:i + 1, :]
    q = be // 4
    out_ref[...] = jnp.concatenate(
        [acc[:, k * q:(k + 1) * q].T for k in range(4)], axis=1)


def _final_body(vout, parts_ref, cnt_ref, x_ref, root_ref, bias_ref, out_ref):
    s = parts_ref[0] + parts_ref[1]
    cnt = cnt_ref[0, :, 0:1] + cnt_ref[1, :, 0:1]
    mean = s / jnp.maximum(cnt, 1.0)
    y = mean + jnp.dot(x_ref[...], root_ref[...],
                       preferred_element_type=jnp.float32) + bias_ref[...]
    out_ref[...] = jnp.where(y > 0.0, y, jnp.exp(y) - 1.0)


def kernel(x, e_idx, e, W1, b1, W2, b2, root, bias):
    n, vin = x.shape
    eE, ein = e.shape
    h = W1.shape[1]
    vout = W2.shape[1] // vin

    epw = eE // NW
    nchunk = epw // CHUNK
    assert epw * NW == eE and nchunk * CHUNK == epw

    src3 = e_idx[0].reshape(NW, nchunk, CHUNK)
    dst3 = e_idx[1].reshape(NW, nchunk, CHUNK)

    mesh = plsc.VectorSubcoreMesh(core_axis_name="c", subcore_axis_name="s",
                                  num_cores=NC, num_subcores=NS)

    xj = pl.kernel(
        functools.partial(_gather_body, epw, nchunk),
        out_type=jax.ShapeDtypeStruct((eE, vin), jnp.float32),
        mesh=mesh,
        scratch_types=[
            pltpu.VMEM((nchunk, CHUNK), jnp.int32),
            pltpu.VMEM((CHUNK, vin), jnp.float32),
            pltpu.SemaphoreType.DMA,
        ],
        compiler_params=pltpu.CompilerParams(use_tc_tiling_on_sc=False),
    )(x, src3)
    xj128 = xj.reshape(eE // 4, 128)

    be = 2560
    grid = eE // be
    eP = e.T.reshape(ein, grid, be // 4, 4).transpose(0, 1, 3, 2) \
        .reshape(ein, eE)
    msg = pl.pallas_call(
        functools.partial(_edge_body, vin, vout, be),
        grid=(grid,),
        in_specs=[
            pl.BlockSpec((ein, be), lambda j: (0, j)),
            pl.BlockSpec((be // 4, 128), lambda j: (j, 0)),
            pl.BlockSpec((h, ein), lambda j: (0, 0)),
            pl.BlockSpec((h, 1), lambda j: (0, 0)),
            pl.BlockSpec((vin * vout, h), lambda j: (0, 0)),
            pl.BlockSpec((vin * vout, 1), lambda j: (0, 0)),
        ],
        out_specs=pl.BlockSpec((be // 4, 128), lambda j: (j, 0)),
        out_shape=jax.ShapeDtypeStruct((eE // 4, 128), jnp.float32),
    )(eP, xj128, W1.T, b1.reshape(h, 1), W2.T.astype(jnp.bfloat16),
      b2.reshape(vin * vout, 1))
    msg32 = msg.reshape(eE, vout)

    zeros = jnp.zeros((n, vout), jnp.float32)
    czeros = jnp.zeros((n, CW), jnp.float32)
    ones = jnp.ones((CHUNK, CW), jnp.float32)
    parts, cparts = pl.kernel(
        functools.partial(_scatter_body, epw, nchunk, n // NS),
        out_type=(jax.ShapeDtypeStruct((NC, n, vout), jnp.float32),
                  jax.ShapeDtypeStruct((NC, n, CW), jnp.float32)),
        mesh=mesh,
        scratch_types=[
            pltpu.VMEM_SHARED((n, vout), jnp.float32),
            pltpu.VMEM_SHARED((n, CW), jnp.float32),
            pltpu.VMEM((nchunk, CHUNK), jnp.int32),
            pltpu.VMEM((CHUNK, vout), jnp.float32),
            pltpu.VMEM((CHUNK, CW), jnp.float32),
        ],
        compiler_params=pltpu.CompilerParams(use_tc_tiling_on_sc=False),
    )(msg32, dst3, zeros, czeros, ones)

    bn = 1000
    out = pl.pallas_call(
        functools.partial(_final_body, vout),
        grid=(n // bn,),
        in_specs=[
            pl.BlockSpec((NC, bn, vout), lambda j: (0, j, 0)),
            pl.BlockSpec((NC, bn, CW), lambda j: (0, j, 0)),
            pl.BlockSpec((bn, vin), lambda j: (j, 0)),
            pl.BlockSpec((vin, vout), lambda j: (0, 0)),
            pl.BlockSpec((1, vout), lambda j: (0, 0)),
        ],
        out_specs=pl.BlockSpec((bn, vout), lambda j: (j, 0)),
        out_shape=jax.ShapeDtypeStruct((n, vout), jnp.float32),
    )(parts, cparts, x, root, bias.reshape(1, vout))

    return out

# --- scband reference (transcript-rebuilt; emitter-appended) ---
"""Pipeline reference for scband-nnconv-wrapper-90417651516149 (READ-ONLY COPY).

The authoritative reference and input builder live on the scoring server;
editing this copy changes nothing except your own understanding.
"""

import jax, jax.numpy as jnp
import numpy as np

N = 10000
E = 320000
VIN = 32
VOUT = 32
EIN = 16
H = 128


def setup_inputs(seed: int = 0) -> dict:
    key = jax.random.key(seed)
    ks = jax.random.split(key, 8)
    x = jax.random.normal(ks[0], (N, VIN), dtype=jnp.float32)
    e_idx = jax.random.randint(ks[1], (2, E), 0, N, dtype=jnp.int32)
    e = jax.random.normal(ks[2], (E, EIN), dtype=jnp.float32)
    # edge-MLP: Linear(EIN,128) -> ReLU -> Linear(128, VIN*VOUT)
    W1 = jax.random.normal(ks[3], (EIN, H), dtype=jnp.float32) * (1.0 / np.sqrt(EIN))
    b1 = jnp.zeros((H,), dtype=jnp.float32)
    W2 = jax.random.normal(ks[4], (H, VIN * VOUT), dtype=jnp.float32) * (1.0 / np.sqrt(H))
    b2 = jnp.zeros((VIN * VOUT,), dtype=jnp.float32)
    # NNConv root weight and bias
    root = jax.random.normal(ks[5], (VIN, VOUT), dtype=jnp.float32) * (1.0 / np.sqrt(VIN))
    bias = jnp.zeros((VOUT,), dtype=jnp.float32)
    return {"x": x, "e_idx": e_idx, "e": e, "W1": W1, "b1": b1, "W2": W2, "b2": b2, "root": root, "bias": bias}


def reference(x, e_idx, e, W1, b1, W2, b2, root, bias):
    # NNConvWrapper with batchnorm_order='none', attention=False, dropout=0.0 (eval)
    # edge MLP -> per-edge weight matrix [E, VIN, VOUT]
    h = jax.nn.relu(e @ W1 + b1)
    We = (h @ W2 + b2).reshape(-1, VIN, VOUT)
    src = e_idx[0]
    dst = e_idx[1]
    # message: x_j (gathered at source) transformed by per-edge weight
    x_j = jnp.take(x, src, axis=0)
    msg = jnp.einsum('ei,eio->eo', x_j, We)
    # mean aggregation at destination nodes
    summed = jax.ops.segment_sum(msg, dst, num_segments=N)
    cnt = jax.ops.segment_sum(jnp.ones((E,), dtype=jnp.float32), dst, num_segments=N)
    mean = summed / jnp.clip(cnt, 1.0, None)[:, None]
    # root transform + bias (NNConv defaults root_weight=True, bias=True)
    out = mean + x @ root + bias
    # wrapper: ELU then dropout (p=0.0, no-op)
    return jax.nn.elu(out)

if __name__ == "__main__":
    import jax
    _d = setup_inputs()
    print(jax.jit(kernel)(*tuple(_d.values())))

</pallas_src>

<mosaic_0001>
#map = affine_map<(d0, d1) -> (0, 0)>
#map1 = affine_map<(d0, d1) -> (0, 0, 0)>
module attributes {stable_mosaic.version = 14 : i64} {
  func.func @_scatter_body(%arg0: i32, %arg1: i32, %arg2: memref<320000x32xf32, #tpu.memory_space<hbm>>, %arg3: memref<32x125x80xi32, #tpu.memory_space<hbm>>, %arg4: memref<10000x32xf32, #tpu.memory_space<hbm>>, %arg5: memref<10000x8xf32, #tpu.memory_space<hbm>>, %arg6: memref<80x8xf32, #tpu.memory_space<hbm>>, %arg7: memref<2x10000x32xf32, #tpu.memory_space<hbm>>, %arg8: memref<2x10000x8xf32, #tpu.memory_space<hbm>>, %arg9: memref<10000x32xf32, #tpu.memory_space<vmem_shared>>, %arg10: memref<10000x8xf32, #tpu.memory_space<vmem_shared>>, %arg11: memref<125x80xi32, #tpu.memory_space<vmem>>, %arg12: memref<80x32xf32, #tpu.memory_space<vmem>>, %arg13: memref<80x8xf32, #tpu.memory_space<vmem>>) attributes {dimension_semantics = [#tpu.dimension_semantics<core_parallel>, #tpu.dimension_semantics<subcore_parallel>], iteration_bounds = array<i64: 2, 16>, scalar_prefetch = 0 : i64, scratch_operands = 5 : i64, tpu.core_type = #tpu.core_type<sc_vector_subcore>, window_params = [{transform_indices = #map}, {transform_indices = #map1}, {transform_indices = #map}, {transform_indices = #map}, {transform_indices = #map}, {transform_indices = #map1}, {transform_indices = #map1}]} {
    %mul3A = arith.constant 2 : i32
    %mul3A_0 = arith.muli %arg1, %mul3A : i32
    %add3A = arith.addi %mul3A_0, %arg0 : i32
    %mul3A_1 = arith.constant 625 : i32
    %mul3A_2 = arith.muli %arg1, %mul3A_1 : i32
    "tpu.region"() ({
      %run_scoped3A = tpu.sem_alloc : memref<!tpu.dma_semaphore, #tpu.memory_space<semaphore_mem>>
      %dma_start3A = arith.constant 0 : i32
      %dma_start3A_9 = tpu.memref_slice %arg9[%mul3A_2, %dma_start3A] : memref<10000x32xf32, #tpu.memory_space<vmem_shared>> -> memref<625x32xf32, #tpu.memory_space<vmem_shared>>
      %dma_start3A_10 = arith.constant 0 : i32
      %dma_start3A_11 = tpu.memref_slice %arg4[%mul3A_2, %dma_start3A_10] : memref<10000x32xf32, #tpu.memory_space<hbm>> -> memref<625x32xf32, #tpu.memory_space<hbm>>
      tpu.enqueue_dma source(%dma_start3A_11 : memref<625x32xf32, #tpu.memory_space<hbm>>) target(%dma_start3A_9 : memref<625x32xf32, #tpu.memory_space<vmem_shared>>) target_semaphore(%run_scoped3A : memref<!tpu.dma_semaphore, #tpu.memory_space<semaphore_mem>>)
      %dma_wait3A = arith.constant 0 : i32
      %dma_wait3A_12 = tpu.memref_slice %arg9[%mul3A_2, %dma_wait3A] : memref<10000x32xf32, #tpu.memory_space<vmem_shared>> -> memref<625x32xf32, #tpu.memory_space<vmem_shared>>
      %dma_wait3A_13 = arith.constant 0 : i32
      %dma_wait3A_14 = tpu.memref_slice %arg4[%mul3A_2, %dma_wait3A_13] : memref<10000x32xf32, #tpu.memory_space<hbm>> -> memref<625x32xf32, #tpu.memory_space<hbm>>
      tpu.wait_dma2 semaphore(%run_scoped3A : memref<!tpu.dma_semaphore, #tpu.memory_space<semaphore_mem>>) src(%dma_wait3A_14 : memref<625x32xf32, #tpu.memory_space<hbm>>) dst(%dma_wait3A_12 : memref<625x32xf32, #tpu.memory_space<vmem_shared>>)
      tpu.yield
    }) : () -> ()
    "tpu.region"() ({
      %run_scoped3A = tpu.sem_alloc : memref<!tpu.dma_semaphore, #tpu.memory_space<semaphore_mem>>
      %dma_start3A = arith.constant 0 : i32
      %dma_start3A_9 = tpu.memref_slice %arg10[%mul3A_2, %dma_start3A] : memref<10000x8xf32, #tpu.memory_space<vmem_shared>> -> memref<625x8xf32, #tpu.memory_space<vmem_shared>>
      %dma_start3A_10 = arith.constant 0 : i32
      %dma_start3A_11 = tpu.memref_slice %arg5[%mul3A_2, %dma_start3A_10] : memref<10000x8xf32, #tpu.memory_space<hbm>> -> memref<625x8xf32, #tpu.memory_space<hbm>>
      tpu.enqueue_dma source(%dma_start3A_11 : memref<625x8xf32, #tpu.memory_space<hbm>>) target(%dma_start3A_9 : memref<625x8xf32, #tpu.memory_space<vmem_shared>>) target_semaphore(%run_scoped3A : memref<!tpu.dma_semaphore, #tpu.memory_space<semaphore_mem>>)
      %dma_wait3A = arith.constant 0 : i32
      %dma_wait3A_12 = tpu.memref_slice %arg10[%mul3A_2, %dma_wait3A] : memref<10000x8xf32, #tpu.memory_space<vmem_shared>> -> memref<625x8xf32, #tpu.memory_space<vmem_shared>>
      %dma_wait3A_13 = arith.constant 0 : i32
      %dma_wait3A_14 = tpu.memref_slice %arg5[%mul3A_2, %dma_wait3A_13] : memref<10000x8xf32, #tpu.memory_space<hbm>> -> memref<625x8xf32, #tpu.memory_space<hbm>>
      tpu.wait_dma2 semaphore(%run_scoped3A : memref<!tpu.dma_semaphore, #tpu.memory_space<semaphore_mem>>) src(%dma_wait3A_14 : memref<625x8xf32, #tpu.memory_space<hbm>>) dst(%dma_wait3A_12 : memref<625x8xf32, #tpu.memory_space<vmem_shared>>)
      tpu.yield
    }) : () -> ()
    %barrier3A = arith.constant 0 : index
    tpu.barrier barrier_id(%barrier3A)
    "tpu.region"() ({
      %run_scoped3A = tpu.sem_alloc : memref<!tpu.dma_semaphore, #tpu.memory_space<semaphore_mem>>
      %dma_start3A = arith.constant 0 : i32
      %dma_start3A_9 = arith.constant 0 : i32
      %dma_start3A_10 = tpu.memref_slice %arg3[%add3A, %dma_start3A, %dma_start3A_9] : memref<32x125x80xi32, #tpu.memory_space<hbm>> -> memref<1x125x80xi32, #tpu.memory_space<hbm>>
      %dma_start3A_11 = tpu.memref_squeeze %dma_start3A_10 : memref<1x125x80xi32, #tpu.memory_space<hbm>> -> memref<125x80xi32, #tpu.memory_space<hbm>>
      %dma_start3A_12 = arith.constant 0 : i32
      %dma_start3A_13 = arith.constant 0 : i32
      %dma_start3A_14 = tpu.memref_slice %arg3[%add3A, %dma_start3A_12, %dma_start3A_13] : memref<32x125x80xi32, #tpu.memory_space<hbm>> -> memref<1x125x80xi32, #tpu.memory_space<hbm>>
      %dma_start3A_15 = tpu.memref_squeeze %dma_start3A_14 : memref<1x125x80xi32, #tpu.memory_space<hbm>> -> memref<125x80xi32, #tpu.memory_space<hbm>>
      tpu.enqueue_dma source(%dma_start3A_15 : memref<125x80xi32, #tpu.memory_space<hbm>>) target(%arg11 : memref<125x80xi32, #tpu.memory_space<vmem>>) target_semaphore(%run_scoped3A : memref<!tpu.dma_semaphore, #tpu.memory_space<semaphore_mem>>)
      %dma_wait3A = arith.constant 0 : i32
      %dma_wait3A_16 = arith.constant 0 : i32
      %dma_wait3A_17 = tpu.memref_slice %arg3[%add3A, %dma_wait3A, %dma_wait3A_16] : memref<32x125x80xi32, #tpu.memory_space<hbm>> -> memref<1x125x80xi32, #tpu.memory_space<hbm>>
      %dma_wait3A_18 = tpu.memref_squeeze %dma_wait3A_17 : memref<1x125x80xi32, #tpu.memory_space<hbm>> -> memref<125x80xi32, #tpu.memory_space<hbm>>
      %dma_wait3A_19 = arith.constant 0 : i32
      %dma_wait3A_20 = arith.constant 0 : i32
      %dma_wait3A_21 = tpu.memref_slice %arg3[%add3A, %dma_wait3A_19, %dma_wait3A_20] : memref<32x125x80xi32, #tpu.memory_space<hbm>> -> memref<1x125x80xi32, #tpu.memory_space<hbm>>
      %dma_wait3A_22 = tpu.memref_squeeze %dma_wait3A_21 : memref<1x125x80xi32, #tpu.memory_space<hbm>> -> memref<125x80xi32, #tpu.memory_space<hbm>>
      tpu.wait_dma2 semaphore(%run_scoped3A : memref<!tpu.dma_semaphore, #tpu.memory_space<semaphore_mem>>) src(%dma_wait3A_22 : memref<125x80xi32, #tpu.memory_space<hbm>>) dst(%arg11 : memref<125x80xi32, #tpu.memory_space<vmem>>)
      tpu.yield
    }) : () -> ()
    "tpu.region"() ({
      %run_scoped3A = tpu.sem_alloc : memref<!tpu.dma_semaphore, #tpu.memory_space<semaphore_mem>>
      tpu.enqueue_dma source(%arg6 : memref<80x8xf32, #tpu.memory_space<hbm>>) target(%arg13 : memref<80x8xf32, #tpu.memory_space<vmem>>) target_semaphore(%run_scoped3A : memref<!tpu.dma_semaphore, #tpu.memory_space<semaphore_mem>>)
      tpu.wait_dma2 semaphore(%run_scoped3A : memref<!tpu.dma_semaphore, #tpu.memory_space<semaphore_mem>>) src(%arg6 : memref<80x8xf32, #tpu.memory_space<hbm>>) dst(%arg13 : memref<80x8xf32, #tpu.memory_space<vmem>>)
      tpu.yield
    }) : () -> ()
    %scan3A = arith.constant 0 : i32
    %scan3A_3 = arith.constant 0 : i32
    %scan3A_4 = arith.constant 125 : i32
    %scan3A_5 = arith.addi %scan3A_3, %scan3A_4 : i32
    %scan3A_6 = arith.constant 1 : i32
    scf.for %scan3A_9 = %scan3A_3 to %scan3A_5 step %scan3A_6  : i32 {
      %mul3A_10 = arith.constant 10000 : i32
      %mul3A_11 = arith.muli %add3A, %mul3A_10 : i32
      %mul3A_12 = arith.constant 80 : i32
      %mul3A_13 = arith.muli %scan3A_9, %mul3A_12 : i32
      %add3A_14 = arith.addi %mul3A_11, %mul3A_13 : i32
      "tpu.region"() ({
        %run_scoped3A = tpu.sem_alloc : memref<!tpu.dma_semaphore, #tpu.memory_space<semaphore_mem>>
        %dma_start3A = arith.constant 0 : i32
        %dma_start3A_15 = tpu.memref_slice %arg2[%add3A_14, %dma_start3A] : memref<320000x32xf32, #tpu.memory_space<hbm>> -> memref<80x32xf32, #tpu.memory_space<hbm>>
        %dma_start3A_16 = arith.constant 0 : i32
        %dma_start3A_17 = tpu.memref_slice %arg2[%add3A_14, %dma_start3A_16] : memref<320000x32xf32, #tpu.memory_space<hbm>> -> memref<80x32xf32, #tpu.memory_space<hbm>>
        tpu.enqueue_dma source(%dma_start3A_17 : memref<80x32xf32, #tpu.memory_space<hbm>>) target(%arg12 : memref<80x32xf32, #tpu.memory_space<vmem>>) target_semaphore(%run_scoped3A : memref<!tpu.dma_semaphore, #tpu.memory_space<semaphore_mem>>)
        %dma_wait3A = arith.constant 0 : i32
        %dma_wait3A_18 = tpu.memref_slice %arg2[%add3A_14, %dma_wait3A] : memref<320000x32xf32, #tpu.memory_space<hbm>> -> memref<80x32xf32, #tpu.memory_space<hbm>>
        %dma_wait3A_19 = arith.constant 0 : i32
        %dma_wait3A_20 = tpu.memref_slice %arg2[%add3A_14, %dma_wait3A_19] : memref<320000x32xf32, #tpu.memory_space<hbm>> -> memref<80x32xf32, #tpu.memory_space<hbm>>
        tpu.wait_dma2 semaphore(%run_scoped3A : memref<!tpu.dma_semaphore, #tpu.memory_space<semaphore_mem>>) src(%dma_wait3A_20 : memref<80x32xf32, #tpu.memory_space<hbm>>) dst(%arg12 : memref<80x32xf32, #tpu.memory_space<vmem>>)
        tpu.yield
      }) : () -> ()
      "tpu.region"() ({
        %run_scoped3A = tpu.sem_alloc : memref<!tpu.dma_semaphore, #tpu.memory_space<semaphore_mem>>
        %dma_start3A = arith.constant 0 : i32
        %dma_start3A_15 = tpu.memref_slice %arg11[%scan3A_9, %dma_start3A] : memref<125x80xi32, #tpu.memory_space<vmem>> -> memref<1x80xi32, #tpu.memory_space<vmem>>
        %dma_start3A_16 = tpu.memref_squeeze %dma_start3A_15 : memref<1x80xi32, #tpu.memory_space<vmem>> -> memref<80xi32, #tpu.memory_space<vmem>>
        %dma_start3A_17 = arith.constant 0 : i32
        %dma_start3A_18 = arith.constant 0 : i32
        %dma_start3A_19 = tpu.memref_slice %arg9[%dma_start3A_17, %dma_start3A_18] : memref<10000x32xf32, #tpu.memory_space<vmem_shared>> -> memref<10000x32xf32, #tpu.memory_space<vmem_shared>>
        tpu.enqueue_indirect_dma source(%arg12 : memref<80x32xf32, #tpu.memory_space<vmem>>) target(%dma_start3A_19 : memref<10000x32xf32, #tpu.memory_space<vmem_shared>>) offsets(%dma_start3A_16 : memref<80xi32, #tpu.memory_space<vmem>>) semaphore(%run_scoped3A : memref<!tpu.dma_semaphore, #tpu.memory_space<semaphore_mem>>) {add = true}
        %dma_wait3A = arith.constant 0 : i32
        %dma_wait3A_20 = tpu.memref_slice %arg11[%scan3A_9, %dma_wait3A] : memref<125x80xi32, #tpu.memory_space<vmem>> -> memref<1x80xi32, #tpu.memory_space<vmem>>
        %dma_wait3A_21 = tpu.memref_squeeze %dma_wait3A_20 : memref<1x80xi32, #tpu.memory_space<vmem>> -> memref<80xi32, #tpu.memory_space<vmem>>
        %dma_wait3A_22 = arith.constant 0 : i32
        %dma_wait3A_23 = arith.constant 0 : i32
        %dma_wait3A_24 = tpu.memref_slice %arg9[%dma_wait3A_22, %dma_wait3A_23] : memref<10000x32xf32, #tpu.memory_space<vmem_shared>> -> memref<10000x32xf32, #tpu.memory_space<vmem_shared>>
        tpu.wait_indirect_dma semaphore(%run_scoped3A : memref<!tpu.dma_semaphore, #tpu.memory_space<semaphore_mem>>) src(%arg12 : memref<80x32xf32, #tpu.memory_space<vmem>>) dst(%dma_wait3A_24 : memref<10000x32xf32, #tpu.memory_space<vmem_shared>>)
        tpu.yield
      }) : () -> ()
      "tpu.region"() ({
        %run_scoped3A = tpu.sem_alloc : memref<!tpu.dma_semaphore, #tpu.memory_space<semaphore_mem>>
        %dma_start3A = arith.constant 0 : i32
        %dma_start3A_15 = tpu.memref_slice %arg11[%scan3A_9, %dma_start3A] : memref<125x80xi32, #tpu.memory_space<vmem>> -> memref<1x80xi32, #tpu.memory_space<vmem>>
        %dma_start3A_16 = tpu.memref_squeeze %dma_start3A_15 : memref<1x80xi32, #tpu.memory_space<vmem>> -> memref<80xi32, #tpu.memory_space<vmem>>
        %dma_start3A_17 = arith.constant 0 : i32
        %dma_start3A_18 = arith.constant 0 : i32
        %dma_start3A_19 = tpu.memref_slice %arg10[%dma_start3A_17, %dma_start3A_18] : memref<10000x8xf32, #tpu.memory_space<vmem_shared>> -> memref<10000x8xf32, #tpu.memory_space<vmem_shared>>
        tpu.enqueue_indirect_dma source(%arg13 : memref<80x8xf32, #tpu.memory_space<vmem>>) target(%dma_start3A_19 : memref<10000x8xf32, #tpu.memory_space<vmem_shared>>) offsets(%dma_start3A_16 : memref<80xi32, #tpu.memory_space<vmem>>) semaphore(%run_scoped3A : memref<!tpu.dma_semaphore, #tpu.memory_space<semaphore_mem>>) {add = true}
        %dma_wait3A = arith.constant 0 : i32
        %dma_wait3A_20 = tpu.memref_slice %arg11[%scan3A_9, %dma_wait3A] : memref<125x80xi32, #tpu.memory_space<vmem>> -> memref<1x80xi32, #tpu.memory_space<vmem>>
        %dma_wait3A_21 = tpu.memref_squeeze %dma_wait3A_20 : memref<1x80xi32, #tpu.memory_space<vmem>> -> memref<80xi32, #tpu.memory_space<vmem>>
        %dma_wait3A_22 = arith.constant 0 : i32
        %dma_wait3A_23 = arith.constant 0 : i32
        %dma_wait3A_24 = tpu.memref_slice %arg10[%dma_wait3A_22, %dma_wait3A_23] : memref<10000x8xf32, #tpu.memory_space<vmem_shared>> -> memref<10000x8xf32, #tpu.memory_space<vmem_shared>>
        tpu.wait_indirect_dma semaphore(%run_scoped3A : memref<!tpu.dma_semaphore, #tpu.memory_space<semaphore_mem>>) src(%arg13 : memref<80x8xf32, #tpu.memory_space<vmem>>) dst(%dma_wait3A_24 : memref<10000x8xf32, #tpu.memory_space<vmem_shared>>)
        tpu.yield
      }) : () -> ()
    }
    %scan3A_7 = arith.constant 125 : i32
    %barrier3A_8 = arith.constant 0 : index
    tpu.barrier barrier_id(%barrier3A_8)
    "tpu.region"() ({
      %run_scoped3A = tpu.sem_alloc : memref<!tpu.dma_semaphore, #tpu.memory_space<semaphore_mem>>
      %dma_start3A = arith.constant 0 : i32
      %dma_start3A_9 = arith.constant 0 : i32
      %dma_start3A_10 = tpu.memref_slice %arg7[%arg0, %dma_start3A, %dma_start3A_9] : memref<2x10000x32xf32, #tpu.memory_space<hbm>> -> memref<1x10000x32xf32, #tpu.memory_space<hbm>>
      %dma_start3A_11 = tpu.memref_squeeze %dma_start3A_10 : memref<1x10000x32xf32, #tpu.memory_space<hbm>> -> memref<10000x32xf32, #tpu.memory_space<hbm>>
      %dma_start3A_12 = arith.constant 0 : i32
      %dma_start3A_13 = tpu.memref_slice %dma_start3A_11[%mul3A_2, %dma_start3A_12] : memref<10000x32xf32, #tpu.memory_space<hbm>> -> memref<625x32xf32, #tpu.memory_space<hbm>>
      %dma_start3A_14 = arith.constant 0 : i32
      %dma_start3A_15 = tpu.memref_slice %arg9[%mul3A_2, %dma_start3A_14] : memref<10000x32xf32, #tpu.memory_space<vmem_shared>> -> memref<625x32xf32, #tpu.memory_space<vmem_shared>>
      tpu.enqueue_dma source(%dma_start3A_15 : memref<625x32xf32, #tpu.memory_space<vmem_shared>>) target(%dma_start3A_13 : memref<625x32xf32, #tpu.memory_space<hbm>>) target_semaphore(%run_scoped3A : memref<!tpu.dma_semaphore, #tpu.memory_space<semaphore_mem>>)
      %dma_wait3A = arith.constant 0 : i32
      %dma_wait3A_16 = arith.constant 0 : i32
      %dma_wait3A_17 = tpu.memref_slice %arg7[%arg0, %dma_wait3A, %dma_wait3A_16] : memref<2x10000x32xf32, #tpu.memory_space<hbm>> -> memref<1x10000x32xf32, #tpu.memory_space<hbm>>
      %dma_wait3A_18 = tpu.memref_squeeze %dma_wait3A_17 : memref<1x10000x32xf32, #tpu.memory_space<hbm>> -> memref<10000x32xf32, #tpu.memory_space<hbm>>
      %dma_wait3A_19 = arith.constant 0 : i32
      %dma_wait3A_20 = tpu.memref_slice %dma_wait3A_18[%mul3A_2, %dma_wait3A_19] : memref<10000x32xf32, #tpu.memory_space<hbm>> -> memref<625x32xf32, #tpu.memory_space<hbm>>
      %dma_wait3A_21 = arith.constant 0 : i32
      %dma_wait3A_22 = tpu.memref_slice %arg9[%mul3A_2, %dma_wait3A_21] : memref<10000x32xf32, #tpu.memory_space<vmem_shared>> -> memref<625x32xf32, #tpu.memory_space<vmem_shared>>
      tpu.wait_dma2 semaphore(%run_scoped3A : memref<!tpu.dma_semaphore, #tpu.memory_space<semaphore_mem>>) src(%dma_wait3A_22 : memref<625x32xf32, #tpu.memory_space<vmem_shared>>) dst(%dma_wait3A_20 : memref<625x32xf32, #tpu.memory_space<hbm>>)
      tpu.yield
    }) : () -> ()
    "tpu.region"() ({
      %run_scoped3A = tpu.sem_alloc : memref<!tpu.dma_semaphore, #tpu.memory_space<semaphore_mem>>
      %dma_start3A = arith.constant 0 : i32
      %dma_start3A_9 = arith.constant 0 : i32
      %dma_start3A_10 = tpu.memref_slice %arg8[%arg0, %dma_start3A, %dma_start3A_9] : memref<2x10000x8xf32, #tpu.memory_space<hbm>> -> memref<1x10000x8xf32, #tpu.memory_space<hbm>>
      %dma_start3A_11 = tpu.memref_squeeze %dma_start3A_10 : memref<1x10000x8xf32, #tpu.memory_space<hbm>> -> memref<10000x8xf32, #tpu.memory_space<hbm>>
      %dma_start3A_12 = arith.constant 0 : i32
      %dma_start3A_13 = tpu.memref_slice %dma_start3A_11[%mul3A_2, %dma_start3A_12] : memref<10000x8xf32, #tpu.memory_space<hbm>> -> memref<625x8xf32, #tpu.memory_space<hbm>>
      %dma_start3A_14 = arith.constant 0 : i32
      %dma_start3A_15 = tpu.memref_slice %arg10[%mul3A_2, %dma_start3A_14] : memref<10000x8xf32, #tpu.memory_space<vmem_shared>> -> memref<625x8xf32, #tpu.memory_space<vmem_shared>>
      tpu.enqueue_dma source(%dma_start3A_15 : memref<625x8xf32, #tpu.memory_space<vmem_shared>>) target(%dma_start3A_13 : memref<625x8xf32, #tpu.memory_space<hbm>>) target_semaphore(%run_scoped3A : memref<!tpu.dma_semaphore, #tpu.memory_space<semaphore_mem>>)
      %dma_wait3A = arith.constant 0 : i32
      %dma_wait3A_16 = arith.constant 0 : i32
      %dma_wait3A_17 = tpu.memref_slice %arg8[%arg0, %dma_wait3A, %dma_wait3A_16] : memref<2x10000x8xf32, #tpu.memory_space<hbm>> -> memref<1x10000x8xf32, #tpu.memory_space<hbm>>
      %dma_wait3A_18 = tpu.memref_squeeze %dma_wait3A_17 : memref<1x10000x8xf32, #tpu.memory_space<hbm>> -> memref<10000x8xf32, #tpu.memory_space<hbm>>
      %dma_wait3A_19 = arith.constant 0 : i32
      %dma_wait3A_20 = tpu.memref_slice %dma_wait3A_18[%mul3A_2, %dma_wait3A_19] : memref<10000x8xf32, #tpu.memory_space<hbm>> -> memref<625x8xf32, #tpu.memory_space<hbm>>
      %dma_wait3A_21 = arith.constant 0 : i32
      %dma_wait3A_22 = tpu.memref_slice %arg10[%mul3A_2, %dma_wait3A_21] : memref<10000x8xf32, #tpu.memory_space<vmem_shared>> -> memref<625x8xf32, #tpu.memory_space<vmem_shared>>
      tpu.wait_dma2 semaphore(%run_scoped3A : memref<!tpu.dma_semaphore, #tpu.memory_space<semaphore_mem>>) src(%dma_wait3A_22 : memref<625x8xf32, #tpu.memory_space<vmem_shared>>) dst(%dma_wait3A_20 : memref<625x8xf32, #tpu.memory_space<hbm>>)
      tpu.yield
    }) : () -> ()
    return
  }
}

#map = affine_map<(d0, d1) -> (0, 0)>
#map1 = affine_map<(d0, d1) -> (0, 0, 0)>
module attributes {stable_mosaic.version = 14 : i64} {
  func.func @_gather_body(%arg0: i32, %arg1: i32, %arg2: memref<10000x32xf32, #tpu.memory_space<hbm>>, %arg3: memref<32x125x80xi32, #tpu.memory_space<hbm>>, %arg4: memref<320000x32xf32, #tpu.memory_space<hbm>>, %arg5: memref<125x80xi32, #tpu.memory_space<vmem>>, %arg6: memref<80x32xf32, #tpu.memory_space<vmem>>, %arg7: memref<!tpu.dma_semaphore, #tpu.memory_space<semaphore_mem>>) attributes {dimension_semantics = [#tpu.dimension_semantics<core_parallel>, #tpu.dimension_semantics<subcore_parallel>], iteration_bounds = array<i64: 2, 16>, scalar_prefetch = 0 : i64, scratch_operands = 3 : i64, tpu.core_type = #tpu.core_type<sc_vector_subcore>, window_params = [{transform_indices = #map}, {transform_indices = #map1}, {transform_indices = #map}]} {
    %mul3A = arith.constant 2 : i32
    %mul3A_0 = arith.muli %arg1, %mul3A : i32
    %add3A = arith.addi %mul3A_0, %arg0 : i32
    "tpu.region"() ({
      %run_scoped3A = tpu.sem_alloc : memref<!tpu.dma_semaphore, #tpu.memory_space<semaphore_mem>>
      %dma_start3A = arith.constant 0 : i32
      %dma_start3A_6 = arith.constant 0 : i32
      %dma_start3A_7 = tpu.memref_slice %arg3[%add3A, %dma_start3A, %dma_start3A_6] : memref<32x125x80xi32, #tpu.memory_space<hbm>> -> memref<1x125x80xi32, #tpu.memory_space<hbm>>
      %dma_start3A_8 = tpu.memref_squeeze %dma_start3A_7 : memref<1x125x80xi32, #tpu.memory_space<hbm>> -> memref<125x80xi32, #tpu.memory_space<hbm>>
      %dma_start3A_9 = arith.constant 0 : i32
      %dma_start3A_10 = arith.constant 0 : i32
      %dma_start3A_11 = tpu.memref_slice %arg3[%add3A, %dma_start3A_9, %dma_start3A_10] : memref<32x125x80xi32, #tpu.memory_space<hbm>> -> memref<1x125x80xi32, #tpu.memory_space<hbm>>
      %dma_start3A_12 = tpu.memref_squeeze %dma_start3A_11 : memref<1x125x80xi32, #tpu.memory_space<hbm>> -> memref<125x80xi32, #tpu.memory_space<hbm>>
      tpu.enqueue_dma source(%dma_start3A_12 : memref<125x80xi32, #tpu.memory_space<hbm>>) target(%arg5 : memref<125x80xi32, #tpu.memory_space<vmem>>) target_semaphore(%run_scoped3A : memref<!tpu.dma_semaphore, #tpu.memory_space<semaphore_mem>>)
      %dma_wait3A = arith.constant 0 : i32
      %dma_wait3A_13 = arith.constant 0 : i32
      %dma_wait3A_14 = tpu.memref_slice %arg3[%add3A, %dma_wait3A, %dma_wait3A_13] : memref<32x125x80xi32, #tpu.memory_space<hbm>> -> memref<1x125x80xi32, #tpu.memory_space<hbm>>
      %dma_wait3A_15 = tpu.memref_squeeze %dma_wait3A_14 : memref<1x125x80xi32, #tpu.memory_space<hbm>> -> memref<125x80xi32, #tpu.memory_space<hbm>>
      %dma_wait3A_16 = arith.constant 0 : i32
      %dma_wait3A_17 = arith.constant 0 : i32
      %dma_wait3A_18 = tpu.memref_slice %arg3[%add3A, %dma_wait3A_16, %dma_wait3A_17] : memref<32x125x80xi32, #tpu.memory_space<hbm>> -> memref<1x125x80xi32, #tpu.memory_space<hbm>>
      %dma_wait3A_19 = tpu.memref_squeeze %dma_wait3A_18 : memref<1x125x80xi32, #tpu.memory_space<hbm>> -> memref<125x80xi32, #tpu.memory_space<hbm>>
      tpu.wait_dma2 semaphore(%run_scoped3A : memref<!tpu.dma_semaphore, #tpu.memory_space<semaphore_mem>>) src(%dma_wait3A_19 : memref<125x80xi32, #tpu.memory_space<hbm>>) dst(%arg5 : memref<125x80xi32, #tpu.memory_space<vmem>>)
      tpu.yield
    }) : () -> ()
    %scan3A = arith.constant 0 : i32
    %scan3A_1 = arith.constant 0 : i32
    %scan3A_2 = arith.constant 125 : i32
    %scan3A_3 = arith.addi %scan3A_1, %scan3A_2 : i32
    %scan3A_4 = arith.constant 1 : i32
    scf.for %scan3A_6 = %scan3A_1 to %scan3A_3 step %scan3A_4  : i32 {
      %dma_start3A = arith.constant 0 : i32
      %dma_start3A_7 = tpu.memref_slice %arg5[%scan3A_6, %dma_start3A] : memref<125x80xi32, #tpu.memory_space<vmem>> -> memref<1x80xi32, #tpu.memory_space<vmem>>
      %dma_start3A_8 = tpu.memref_squeeze %dma_start3A_7 : memref<1x80xi32, #tpu.memory_space<vmem>> -> memref<80xi32, #tpu.memory_space<vmem>>
      %dma_start3A_9 = arith.constant 0 : i32
      %dma_start3A_10 = arith.constant 0 : i32
      %dma_start3A_11 = tpu.memref_slice %arg2[%dma_start3A_9, %dma_start3A_10] : memref<10000x32xf32, #tpu.memory_space<hbm>> -> memref<10000x32xf32, #tpu.memory_space<hbm>>
      tpu.enqueue_indirect_dma source(%dma_start3A_11 : memref<10000x32xf32, #tpu.memory_space<hbm>>) target(%arg6 : memref<80x32xf32, #tpu.memory_space<vmem>>) offsets(%dma_start3A_8 : memref<80xi32, #tpu.memory_space<vmem>>) semaphore(%arg7 : memref<!tpu.dma_semaphore, #tpu.memory_space<semaphore_mem>>)
      %dma_wait3A = arith.constant 0 : i32
      %dma_wait3A_12 = tpu.memref_slice %arg5[%scan3A_6, %dma_wait3A] : memref<125x80xi32, #tpu.memory_space<vmem>> -> memref<1x80xi32, #tpu.memory_space<vmem>>
      %dma_wait3A_13 = tpu.memref_squeeze %dma_wait3A_12 : memref<1x80xi32, #tpu.memory_space<vmem>> -> memref<80xi32, #tpu.memory_space<vmem>>
      %dma_wait3A_14 = arith.constant 0 : i32
      %dma_wait3A_15 = arith.constant 0 : i32
      %dma_wait3A_16 = tpu.memref_slice %arg2[%dma_wait3A_14, %dma_wait3A_15] : memref<10000x32xf32, #tpu.memory_space<hbm>> -> memref<10000x32xf32, #tpu.memory_space<hbm>>
      tpu.wait_indirect_dma semaphore(%arg7 : memref<!tpu.dma_semaphore, #tpu.memory_space<semaphore_mem>>) src(%dma_wait3A_16 : memref<10000x32xf32, #tpu.memory_space<hbm>>) dst(%arg6 : memref<80x32xf32, #tpu.memory_space<vmem>>)
      %mul3A_17 = arith.constant 10000 : i32
      %mul3A_18 = arith.muli %add3A, %mul3A_17 : i32
      %mul3A_19 = arith.constant 80 : i32
      %mul3A_20 = arith.muli %scan3A_6, %mul3A_19 : i32
      %add3A_21 = arith.addi %mul3A_18, %mul3A_20 : i32
      "tpu.region"() ({
        %run_scoped3A = tpu.sem_alloc : memref<!tpu.dma_semaphore, #tpu.memory_space<semaphore_mem>>
        %dma_start3A_22 = arith.constant 0 : i32
        %dma_start3A_23 = tpu.memref_slice %arg4[%add3A_21, %dma_start3A_22] : memref<320000x32xf32, #tpu.memory_space<hbm>> -> memref<80x32xf32, #tpu.memory_space<hbm>>
        %dma_start3A_24 = arith.constant 0 : i32
        %dma_start3A_25 = tpu.memref_slice %arg4[%add3A_21, %dma_start3A_24] : memref<320000x32xf32, #tpu.memory_space<hbm>> -> memref<80x32xf32, #tpu.memory_space<hbm>>
        tpu.enqueue_dma source(%arg6 : memref<80x32xf32, #tpu.memory_space<vmem>>) target(%dma_start3A_25 : memref<80x32xf32, #tpu.memory_space<hbm>>) target_semaphore(%run_scoped3A : memref<!tpu.dma_semaphore, #tpu.memory_space<semaphore_mem>>)
        %dma_wait3A_26 = arith.constant 0 : i32
        %dma_wait3A_27 = tpu.memref_slice %arg4[%add3A_21, %dma_wait3A_26] : memref<320000x32xf32, #tpu.memory_space<hbm>> -> memref<80x32xf32, #tpu.memory_space<hbm>>
        %dma_wait3A_28 = arith.constant 0 : i32
        %dma_wait3A_29 = tpu.memref_slice %arg4[%add3A_21, %dma_wait3A_28] : memref<320000x32xf32, #tpu.memory_space<hbm>> -> memref<80x32xf32, #tpu.memory_space<hbm>>
        tpu.wait_dma2 semaphore(%run_scoped3A : memref<!tpu.dma_semaphore, #tpu.memory_space<semaphore_mem>>) src(%arg6 : memref<80x32xf32, #tpu.memory_space<vmem>>) dst(%dma_wait3A_29 : memref<80x32xf32, #tpu.memory_space<hbm>>)
        tpu.yield
      }) : () -> ()
    }
    %scan3A_5 = arith.constant 125 : i32
    return
  }
}

module attributes {stable_mosaic.version = 14 : i64} {
  func.func @_edge_body(%arg0: i32, %arg1: memref<16x2560xf32, #tpu.memory_space<vmem>>, %arg2: memref<640x128xf32, #tpu.memory_space<vmem>>, %arg3: memref<128x16xf32, #tpu.memory_space<vmem>>, %arg4: memref<128x1xf32, #tpu.memory_space<vmem>>, %arg5: memref<1024x128xbf16, #tpu.memory_space<vmem>>, %arg6: memref<1024x1xf32, #tpu.memory_space<vmem>>, %arg7: memref<640x128xf32, #tpu.memory_space<vmem>>) attributes {dimension_semantics = [#tpu.dimension_semantics<arbitrary>], iteration_bounds = array<i64: 125>, scalar_prefetch = 0 : i64, scratch_operands = 0 : i64, tpu.core_type = #tpu.core_type<tc>, window_params = [{transform_indices = @transform_0, window_bounds = array<i64: 16, 2560>}, {transform_indices = @transform_1, window_bounds = array<i64: 640, 128>}, {pipeline_mode = #tpu.pipeline_mode<synchronous>, transform_indices = @transform_2, window_bounds = array<i64: 128, 16>}, {pipeline_mode = #tpu.pipeline_mode<synchronous>, transform_indices = @transform_3, window_bounds = array<i64: 128, 1>}, {pipeline_mode = #tpu.pipeline_mode<synchronous>, transform_indices = @transform_4, window_bounds = array<i64: 1024, 128>}, {pipeline_mode = #tpu.pipeline_mode<synchronous>, transform_indices = @transform_5, window_bounds = array<i64: 1024, 1>}, {transform_indices = @transform_6, window_bounds = array<i64: 640, 128>}]} {
    %get3A = arith.constant 0 : index
    %get3A_0 = arith.constant 0 : index
    %get3A_1 = vector.load %arg1[%get3A, %get3A_0] : memref<16x2560xf32, #tpu.memory_space<vmem>>, vector<16x2560xf32>
    %get3A_2 = arith.constant 0 : index
    %get3A_3 = arith.constant 0 : index
    %get3A_4 = vector.load %arg3[%get3A_2, %get3A_3] : memref<128x16xf32, #tpu.memory_space<vmem>>, vector<128x16xf32>
    %dot_general3A = arith.constant dense<0.000000e+00> : vector<128x2560xf32>
    %dot_general3A_5 = tpu.matmul %get3A_4, %get3A_1, %dot_general3A {dimension_numbers = #tpu.dot_dimension_numbers<[1], [0], [0], [1], [0, 0, 1, 1], [], []>, transpose_lhs_hint = false} : vector<128x16xf32>, vector<16x2560xf32>, vector<128x2560xf32> -> vector<128x2560xf32>
    %get3A_6 = arith.constant 0 : index
    %get3A_7 = arith.constant 0 : index
    %get3A_8 = vector.load %arg4[%get3A_6, %get3A_7] : memref<128x1xf32, #tpu.memory_space<vmem>>, vector<128x1xf32>
    %add3A = vector.broadcast %get3A_8 : vector<128x1xf32> to vector<128x2560xf32>
    %add3A_9 = arith.addf %dot_general3A_5, %add3A : vector<128x2560xf32>
    %max3A = arith.constant 0.000000e+00 : f32
    %max3A_10 = vector.broadcast %max3A : f32 to vector<128x2560xf32>
    %max3A_11 = arith.maximumf %add3A_9, %max3A_10 : vector<128x2560xf32>
    %get3A_12 = arith.constant 0 : index
    %get3A_13 = arith.constant 0 : index
    %get3A_14 = vector.load %arg5[%get3A_12, %get3A_13] : memref<1024x128xbf16, #tpu.memory_space<vmem>>, vector<1024x128xbf16>
    %convert_element_type3A = arith.truncf %max3A_11 : vector<128x2560xf32> to vector<128x2560xbf16>
    %dot_general3A_15 = arith.constant dense<0.000000e+00> : vector<1024x2560xf32>
    %dot_general3A_16 = tpu.matmul %get3A_14, %convert_element_type3A, %dot_general3A_15 {dimension_numbers = #tpu.dot_dimension_numbers<[1], [0], [0], [1], [0, 0, 1, 1], [], []>, transpose_lhs_hint = false} : vector<1024x128xbf16>, vector<128x2560xbf16>, vector<1024x2560xf32> -> vector<1024x2560xf32>
    %get3A_17 = arith.constant 0 : index
    %get3A_18 = arith.constant 0 : index
    %get3A_19 = vector.load %arg6[%get3A_17, %get3A_18] : memref<1024x1xf32, #tpu.memory_space<vmem>>, vector<1024x1xf32>
    %add3A_20 = vector.broadcast %get3A_19 : vector<1024x1xf32> to vector<1024x2560xf32>
    %add3A_21 = arith.addf %dot_general3A_16, %add3A_20 : vector<1024x2560xf32>
    %get3A_22 = arith.constant 0 : index
    %get3A_23 = arith.constant 0 : index
    %get3A_24 = vector.load %arg2[%get3A_22, %get3A_23] : memref<640x128xf32, #tpu.memory_space<vmem>>, vector<640x128xf32>
    %slice3A = vector.extract_strided_slice %get3A_24 {offsets = [0, 0], sizes = [640, 32], strides = [1, 1]} : vector<640x128xf32> to vector<640x32xf32>
    %transpose3A = tpu.transpose %slice3A, [1, 0] : vector<640x32xf32> -> vector<32x640xf32>
    %slice3A_25 = vector.extract_strided_slice %get3A_24 {offsets = [0, 32], sizes = [640, 32], strides = [1, 1]} : vector<640x128xf32> to vector<640x32xf32>
    %transpose3A_26 = tpu.transpose %slice3A_25, [1, 0] : vector<640x32xf32> -> vector<32x640xf32>
    %slice3A_27 = vector.extract_strided_slice %get3A_24 {offsets = [0, 64], sizes = [640, 32], strides = [1, 1]} : vector<640x128xf32> to vector<640x32xf32>
    %transpose3A_28 = tpu.transpose %slice3A_27, [1, 0] : vector<640x32xf32> -> vector<32x640xf32>
    %slice3A_29 = vector.extract_strided_slice %get3A_24 {offsets = [0, 96], sizes = [640, 32], strides = [1, 1]} : vector<640x128xf32> to vector<640x32xf32>
    %transpose3A_30 = tpu.transpose %slice3A_29, [1, 0] : vector<640x32xf32> -> vector<32x640xf32>
    %concatenate3A = tpu.concatenate %transpose3A, %transpose3A_26, %transpose3A_28, %transpose3A_30 in 1 : vector<32x640xf32>, vector<32x640xf32>, vector<32x640xf32>, vector<32x640xf32> -> vector<32x2560xf32>
    %broadcast_in_dim3A = arith.constant 0.000000e+00 : f32
    %broadcast_in_dim3A_31 = vector.broadcast %broadcast_in_dim3A : f32 to vector<32x2560xf32>
    %slice3A_32 = vector.extract_strided_slice %add3A_21 {offsets = [0, 0], sizes = [32, 2560], strides = [1, 1]} : vector<1024x2560xf32> to vector<32x2560xf32>
    %slice3A_33 = vector.extract_strided_slice %concatenate3A {offsets = [0, 0], sizes = [1, 2560], strides = [1, 1]} : vector<32x2560xf32> to vector<1x2560xf32>
    %mul3A = vector.broadcast %slice3A_33 : vector<1x2560xf32> to vector<32x2560xf32>
    %mul3A_34 = arith.mulf %slice3A_32, %mul3A : vector<32x2560xf32>
    %add3A_35 = arith.addf %broadcast_in_dim3A_31, %mul3A_34 : vector<32x2560xf32>
    %slice3A_36 = vector.extract_strided_slice %add3A_21 {offsets = [32, 0], sizes = [32, 2560], strides = [1, 1]} : vector<1024x2560xf32> to vector<32x2560xf32>
    %slice3A_37 = vector.extract_strided_slice %concatenate3A {offsets = [1, 0], sizes = [1, 2560], strides = [1, 1]} : vector<32x2560xf32> to vector<1x2560xf32>
    %mul3A_38 = vector.broadcast %slice3A_37 : vector<1x2560xf32> to vector<32x2560xf32>
    %mul3A_39 = arith.mulf %slice3A_36, %mul3A_38 : vector<32x2560xf32>
    %add3A_40 = arith.addf %add3A_35, %mul3A_39 : vector<32x2560xf32>
    %slice3A_41 = vector.extract_strided_slice %add3A_21 {offsets = [64, 0], sizes = [32, 2560], strides = [1, 1]} : vector<1024x2560xf32> to vector<32x2560xf32>
    %slice3A_42 = vector.extract_strided_slice %concatenate3A {offsets = [2, 0], sizes = [1, 2560], strides = [1, 1]} : vector<32x2560xf32> to vector<1x2560xf32>
    %mul3A_43 = vector.broadcast %slice3A_42 : vector<1x2560xf32> to vector<32x2560xf32>
    %mul3A_44 = arith.mulf %slice3A_41, %mul3A_43 : vector<32x2560xf32>
    %add3A_45 = arith.addf %add3A_40, %mul3A_44 : vector<32x2560xf32>
    %slice3A_46 = vector.extract_strided_slice %add3A_21 {offsets = [96, 0], sizes = [32, 2560], strides = [1, 1]} : vector<1024x2560xf32> to vector<32x2560xf32>
    %slice3A_47 = vector.extract_strided_slice %concatenate3A {offsets = [3, 0], sizes = [1, 2560], strides = [1, 1]} : vector<32x2560xf32> to vector<1x2560xf32>
    %mul3A_48 = vector.broadcast %slice3A_47 : vector<1x2560xf32> to vector<32x2560xf32>
    %mul3A_49 = arith.mulf %slice3A_46, %mul3A_48 : vector<32x2560xf32>
    %add3A_50 = arith.addf %add3A_45, %mul3A_49 : vector<32x2560xf32>
    %slice3A_51 = vector.extract_strided_slice %add3A_21 {offsets = [128, 0], sizes = [32, 2560], strides = [1, 1]} : vector<1024x2560xf32> to vector<32x2560xf32>
    %slice3A_52 = vector.extract_strided_slice %concatenate3A {offsets = [4, 0], sizes = [1, 2560], strides = [1, 1]} : vector<32x2560xf32> to vector<1x2560xf32>
    %mul3A_53 = vector.broadcast %slice3A_52 : vector<1x2560xf32> to vector<32x2560xf32>
    %mul3A_54 = arith.mulf %slice3A_51, %mul3A_53 : vector<32x2560xf32>
    %add3A_55 = arith.addf %add3A_50, %mul3A_54 : vector<32x2560xf32>
    %slice3A_56 = vector.extract_strided_slice %add3A_21 {offsets = [160, 0], sizes = [32, 2560], strides = [1, 1]} : vector<1024x2560xf32> to vector<32x2560xf32>
    %slice3A_57 = vector.extract_strided_slice %concatenate3A {offsets = [5, 0], sizes = [1, 2560], strides = [1, 1]} : vector<32x2560xf32> to vector<1x2560xf32>
    %mul3A_58 = vector.broadcast %slice3A_57 : vector<1x2560xf32> to vector<32x2560xf32>
    %mul3A_59 = arith.mulf %slice3A_56, %mul3A_58 : vector<32x2560xf32>
    %add3A_60 = arith.addf %add3A_55, %mul3A_59 : vector<32x2560xf32>
    %slice3A_61 = vector.extract_strided_slice %add3A_21 {offsets = [192, 0], sizes = [32, 2560], strides = [1, 1]} : vector<1024x2560xf32> to vector<32x2560xf32>
    %slice3A_62 = vector.extract_strided_slice %concatenate3A {offsets = [6, 0], sizes = [1, 2560], strides = [1, 1]} : vector<32x2560xf32> to vector<1x2560xf32>
    %mul3A_63 = vector.broadcast %slice3A_62 : vector<1x2560xf32> to vector<32x2560xf32>
    %mul3A_64 = arith.mulf %slice3A_61, %mul3A_63 : vector<32x2560xf32>
    %add3A_65 = arith.addf %add3A_60, %mul3A_64 : vector<32x2560xf32>
    %slice3A_66 = vector.extract_strided_slice %add3A_21 {offsets = [224, 0], sizes = [32, 2560], strides = [1, 1]} : vector<1024x2560xf32> to vector<32x2560xf32>
    %slice3A_67 = vector.extract_strided_slice %concatenate3A {offsets = [7, 0], sizes = [1, 2560], strides = [1, 1]} : vector<32x2560xf32> to vector<1x2560xf32>
    %mul3A_68 = vector.broadcast %slice3A_67 : vector<1x2560xf32> to vector<32x2560xf32>
    %mul3A_69 = arith.mulf %slice3A_66, %mul3A_68 : vector<32x2560xf32>
    %add3A_70 = arith.addf %add3A_65, %mul3A_69 : vector<32x2560xf32>
    %slice3A_71 = vector.extract_strided_slice %add3A_21 {offsets = [256, 0], sizes = [32, 2560], strides = [1, 1]} : vector<1024x2560xf32> to vector<32x2560xf32>
    %slice3A_72 = vector.extract_strided_slice %concatenate3A {offsets = [8, 0], sizes = [1, 2560], strides = [1, 1]} : vector<32x2560xf32> to vector<1x2560xf32>
    %mul3A_73 = vector.broadcast %slice3A_72 : vector<1x2560xf32> to vector<32x2560xf32>
    %mul3A_74 = arith.mulf %slice3A_71, %mul3A_73 : vector<32x2560xf32>
    %add3A_75 = arith.addf %add3A_70, %mul3A_74 : vector<32x2560xf32>
    %slice3A_76 = vector.extract_strided_slice %add3A_21 {offsets = [288, 0], sizes = [32, 2560], strides = [1, 1]} : vector<1024x2560xf32> to vector<32x2560xf32>
    %slice3A_77 = vector.extract_strided_slice %concatenate3A {offsets = [9, 0], sizes = [1, 2560], strides = [1, 1]} : vector<32x2560xf32> to vector<1x2560xf32>
    %mul3A_78 = vector.broadcast %slice3A_77 : vector<1x2560xf32> to vector<32x2560xf32>
    %mul3A_79 = arith.mulf %slice3A_76, %mul3A_78 : vector<32x2560xf32>
    %add3A_80 = arith.addf %add3A_75, %mul3A_79 : vector<32x2560xf32>
    %slice3A_81 = vector.extract_strided_slice %add3A_21 {offsets = [320, 0], sizes = [32, 2560], strides = [1, 1]} : vector<1024x2560xf32> to vector<32x2560xf32>
    %slice3A_82 = vector.extract_strided_slice %concatenate3A {offsets = [10, 0], sizes = [1, 2560], strides = [1, 1]} : vector<32x2560xf32> to vector<1x2560xf32>
    %mul3A_83 = vector.broadcast %slice3A_82 : vector<1x2560xf32> to vector<32x2560xf32>
    %mul3A_84 = arith.mulf %slice3A_81, %mul3A_83 : vector<32x2560xf32>
    %add3A_85 = arith.addf %add3A_80, %mul3A_84 : vector<32x2560xf32>
    %slice3A_86 = vector.extract_strided_slice %add3A_21 {offsets = [352, 0], sizes = [32, 2560], strides = [1, 1]} : vector<1024x2560xf32> to vector<32x2560xf32>
    %slice3A_87 = vector.extract_strided_slice %concatenate3A {offsets = [11, 0], sizes = [1, 2560], strides = [1, 1]} : vector<32x2560xf32> to vector<1x2560xf32>
    %mul3A_88 = vector.broadcast %slice3A_87 : vector<1x2560xf32> to vector<32x2560xf32>
    %mul3A_89 = arith.mulf %slice3A_86, %mul3A_88 : vector<32x2560xf32>
    %add3A_90 = arith.addf %add3A_85, %mul3A_89 : vector<32x2560xf32>
    %slice3A_91 = vector.extract_strided_slice %add3A_21 {offsets = [384, 0], sizes = [32, 2560], strides = [1, 1]} : vector<1024x2560xf32> to vector<32x2560xf32>
    %slice3A_92 = vector.extract_strided_slice %concatenate3A {offsets = [12, 0], sizes = [1, 2560], strides = [1, 1]} : vector<32x2560xf32> to vector<1x2560xf32>
    %mul3A_93 = vector.broadcast %slice3A_92 : vector<1x2560xf32> to vector<32x2560xf32>
    %mul3A_94 = arith.mulf %slice3A_91, %mul3A_93 : vector<32x2560xf32>
    %add3A_95 = arith.addf %add3A_90, %mul3A_94 : vector<32x2560xf32>
    %slice3A_96 = vector.extract_strided_slice %add3A_21 {offsets = [416, 0], sizes = [32, 2560], strides = [1, 1]} : vector<1024x2560xf32> to vector<32x2560xf32>
    %slice3A_97 = vector.extract_strided_slice %concatenate3A {offsets = [13, 0], sizes = [1, 2560], strides = [1, 1]} : vector<32x2560xf32> to vector<1x2560xf32>
    %mul3A_98 = vector.broadcast %slice3A_97 : vector<1x2560xf32> to vector<32x2560xf32>
    %mul3A_99 = arith.mulf %slice3A_96, %mul3A_98 : vector<32x2560xf32>
    %add3A_100 = arith.addf %add3A_95, %mul3A_99 : vector<32x2560xf32>
    %slice3A_101 = vector.extract_strided_slice %add3A_21 {offsets = [448, 0], sizes = [32, 2560], strides = [1, 1]} : vector<1024x2560xf32> to vector<32x2560xf32>
    %slice3A_102 = vector.extract_strided_slice %concatenate3A {offsets = [14, 0], sizes = [1, 2560], strides = [1, 1]} : vector<32x2560xf32> to vector<1x2560xf32>
    %mul3A_103 = vector.broadcast %slice3A_102 : vector<1x2560xf32> to vector<32x2560xf32>
    %mul3A_104 = arith.mulf %slice3A_101, %mul3A_103 : vector<32x2560xf32>
    %add3A_105 = arith.addf %add3A_100, %mul3A_104 : vector<32x2560xf32>
    %slice3A_106 = vector.extract_strided_slice %add3A_21 {offsets = [480, 0], sizes = [32, 2560], strides = [1, 1]} : vector<1024x2560xf32> to vector<32x2560xf32>
    %slice3A_107 = vector.extract_strided_slice %concatenate3A {offsets = [15, 0], sizes = [1, 2560], strides = [1, 1]} : vector<32x2560xf32> to vector<1x2560xf32>
    %mul3A_108 = vector.broadcast %slice3A_107 : vector<1x2560xf32> to vector<32x2560xf32>
    %mul3A_109 = arith.mulf %slice3A_106, %mul3A_108 : vector<32x2560xf32>
    %add3A_110 = arith.addf %add3A_105, %mul3A_109 : vector<32x2560xf32>
    %slice3A_111 = vector.extract_strided_slice %add3A_21 {offsets = [512, 0], sizes = [32, 2560], strides = [1, 1]} : vector<1024x2560xf32> to vector<32x2560xf32>
    %slice3A_112 = vector.extract_strided_slice %concatenate3A {offsets = [16, 0], sizes = [1, 2560], strides = [1, 1]} : vector<32x2560xf32> to vector<1x2560xf32>
    %mul3A_113 = vector.broadcast %slice3A_112 : vector<1x2560xf32> to vector<32x2560xf32>
    %mul3A_114 = arith.mulf %slice3A_111, %mul3A_113 : vector<32x2560xf32>
    %add3A_115 = arith.addf %add3A_110, %mul3A_114 : vector<32x2560xf32>
    %slice3A_116 = vector.extract_strided_slice %add3A_21 {offsets = [544, 0], sizes = [32, 2560], strides = [1, 1]} : vector<1024x2560xf32> to vector<32x2560xf32>
    %slice3A_117 = vector.extract_strided_slice %concatenate3A {offsets = [17, 0], sizes = [1, 2560], strides = [1, 1]} : vector<32x2560xf32> to vector<1x2560xf32>
    %mul3A_118 = vector.broadcast %slice3A_117 : vector<1x2560xf32> to vector<32x2560xf32>
    %mul3A_119 = arith.mulf %slice3A_116, %mul3A_118 : vector<32x2560xf32>
    %add3A_120 = arith.addf %add3A_115, %mul3A_119 : vector<32x2560xf32>
    %slice3A_121 = vector.extract_strided_slice %add3A_21 {offsets = [576, 0], sizes = [32, 2560], strides = [1, 1]} : vector<1024x2560xf32> to vector<32x2560xf32>
    %slice3A_122 = vector.extract_strided_slice %concatenate3A {offsets = [18, 0], sizes = [1, 2560], strides = [1, 1]} : vector<32x2560xf32> to vector<1x2560xf32>
    %mul3A_123 = vector.broadcast %slice3A_122 : vector<1x2560xf32> to vector<32x2560xf32>
    %mul3A_124 = arith.mulf %slice3A_121, %mul3A_123 : vector<32x2560xf32>
    %add3A_125 = arith.addf %add3A_120, %mul3A_124 : vector<32x2560xf32>
    %slice3A_126 = vector.extract_strided_slice %add3A_21 {offsets = [608, 0], sizes = [32, 2560], strides = [1, 1]} : vector<1024x2560xf32> to vector<32x2560xf32>
    %slice3A_127 = vector.extract_strided_slice %concatenate3A {offsets = [19, 0], sizes = [1, 2560], strides = [1, 1]} : vector<32x2560xf32> to vector<1x2560xf32>
    %mul3A_128 = vector.broadcast %slice3A_127 : vector<1x2560xf32> to vector<32x2560xf32>
    %mul3A_129 = arith.mulf %slice3A_126, %mul3A_128 : vector<32x2560xf32>
    %add3A_130 = arith.addf %add3A_125, %mul3A_129 : vector<32x2560xf32>
    %slice3A_131 = vector.extract_strided_slice %add3A_21 {offsets = [640, 0], sizes = [32, 2560], strides = [1, 1]} : vector<1024x2560xf32> to vector<32x2560xf32>
    %slice3A_132 = vector.extract_strided_slice %concatenate3A {offsets = [20, 0], sizes = [1, 2560], strides = [1, 1]} : vector<32x2560xf32> to vector<1x2560xf32>
    %mul3A_133 = vector.broadcast %slice3A_132 : vector<1x2560xf32> to vector<32x2560xf32>
    %mul3A_134 = arith.mulf %slice3A_131, %mul3A_133 : vector<32x2560xf32>
    %add3A_135 = arith.addf %add3A_130, %mul3A_134 : vector<32x2560xf32>
    %slice3A_136 = vector.extract_strided_slice %add3A_21 {offsets = [672, 0], sizes = [32, 2560], strides = [1, 1]} : vector<1024x2560xf32> to vector<32x2560xf32>
    %slice3A_137 = vector.extract_strided_slice %concatenate3A {offsets = [21, 0], sizes = [1, 2560], strides = [1, 1]} : vector<32x2560xf32> to vector<1x2560xf32>
    %mul3A_138 = vector.broadcast %slice3A_137 : vector<1x2560xf32> to vector<32x2560xf32>
    %mul3A_139 = arith.mulf %slice3A_136, %mul3A_138 : vector<32x2560xf32>
    %add3A_140 = arith.addf %add3A_135, %mul3A_139 : vector<32x2560xf32>
    %slice3A_141 = vector.extract_strided_slice %add3A_21 {offsets = [704, 0], sizes = [32, 2560], strides = [1, 1]} : vector<1024x2560xf32> to vector<32x2560xf32>
    %slice3A_142 = vector.extract_strided_slice %concatenate3A {offsets = [22, 0], sizes = [1, 2560], strides = [1, 1]} : vector<32x2560xf32> to vector<1x2560xf32>
    %mul3A_143 = vector.broadcast %slice3A_142 : vector<1x2560xf32> to vector<32x2560xf32>
    %mul3A_144 = arith.mulf %slice3A_141, %mul3A_143 : vector<32x2560xf32>
    %add3A_145 = arith.addf %add3A_140, %mul3A_144 : vector<32x2560xf32>
    %slice3A_146 = vector.extract_strided_slice %add3A_21 {offsets = [736, 0], sizes = [32, 2560], strides = [1, 1]} : vector<1024x2560xf32> to vector<32x2560xf32>
    %slice3A_147 = vector.extract_strided_slice %concatenate3A {offsets = [23, 0], sizes = [1, 2560], strides = [1, 1]} : vector<32x2560xf32> to vector<1x2560xf32>
    %mul3A_148 = vector.broadcast %slice3A_147 : vector<1x2560xf32> to vector<32x2560xf32>
    %mul3A_149 = arith.mulf %slice3A_146, %mul3A_148 : vector<32x2560xf32>
    %add3A_150 = arith.addf %add3A_145, %mul3A_149 : vector<32x2560xf32>
    %slice3A_151 = vector.extract_strided_slice %add3A_21 {offsets = [768, 0], sizes = [32, 2560], strides = [1, 1]} : vector<1024x2560xf32> to vector<32x2560xf32>
    %slice3A_152 = vector.extract_strided_slice %concatenate3A {offsets = [24, 0], sizes = [1, 2560], strides = [1, 1]} : vector<32x2560xf32> to vector<1x2560xf32>
    %mul3A_153 = vector.broadcast %slice3A_152 : vector<1x2560xf32> to vector<32x2560xf32>
    %mul3A_154 = arith.mulf %slice3A_151, %mul3A_153 : vector<32x2560xf32>
    %add3A_155 = arith.addf %add3A_150, %mul3A_154 : vector<32x2560xf32>
    %slice3A_156 = vector.extract_strided_slice %add3A_21 {offsets = [800, 0], sizes = [32, 2560], strides = [1, 1]} : vector<1024x2560xf32> to vector<32x2560xf32>
    %slice3A_157 = vector.extract_strided_slice %concatenate3A {offsets = [25, 0], sizes = [1, 2560], strides = [1, 1]} : vector<32x2560xf32> to vector<1x2560xf32>
    %mul3A_158 = vector.broadcast %slice3A_157 : vector<1x2560xf32> to vector<32x2560xf32>
    %mul3A_159 = arith.mulf %slice3A_156, %mul3A_158 : vector<32x2560xf32>
    %add3A_160 = arith.addf %add3A_155, %mul3A_159 : vector<32x2560xf32>
    %slice3A_161 = vector.extract_strided_slice %add3A_21 {offsets = [832, 0], sizes = [32, 2560], strides = [1, 1]} : vector<1024x2560xf32> to vector<32x2560xf32>
    %slice3A_162 = vector.extract_strided_slice %concatenate3A {offsets = [26, 0], sizes = [1, 2560], strides = [1, 1]} : vector<32x2560xf32> to vector<1x2560xf32>
    %mul3A_163 = vector.broadcast %slice3A_162 : vector<1x2560xf32> to vector<32x2560xf32>
    %mul3A_164 = arith.mulf %slice3A_161, %mul3A_163 : vector<32x2560xf32>
    %add3A_165 = arith.addf %add3A_160, %mul3A_164 : vector<32x2560xf32>
    %slice3A_166 = vector.extract_strided_slice %add3A_21 {offsets = [864, 0], sizes = [32, 2560], strides = [1, 1]} : vector<1024x2560xf32> to vector<32x2560xf32>
    %slice3A_167 = vector.extract_strided_slice %concatenate3A {offsets = [27, 0], sizes = [1, 2560], strides = [1, 1]} : vector<32x2560xf32> to vector<1x2560xf32>
    %mul3A_168 = vector.broadcast %slice3A_167 : vector<1x2560xf32> to vector<32x2560xf32>
    %mul3A_169 = arith.mulf %slice3A_166, %mul3A_168 : vector<32x2560xf32>
    %add3A_170 = arith.addf %add3A_165, %mul3A_169 : vector<32x2560xf32>
    %slice3A_171 = vector.extract_strided_slice %add3A_21 {offsets = [896, 0], sizes = [32, 2560], strides = [1, 1]} : vector<1024x2560xf32> to vector<32x2560xf32>
    %slice3A_172 = vector.extract_strided_slice %concatenate3A {offsets = [28, 0], sizes = [1, 2560], strides = [1, 1]} : vector<32x2560xf32> to vector<1x2560xf32>
    %mul3A_173 = vector.broadcast %slice3A_172 : vector<1x2560xf32> to vector<32x2560xf32>
    %mul3A_174 = arith.mulf %slice3A_171, %mul3A_173 : vector<32x2560xf32>
    %add3A_175 = arith.addf %add3A_170, %mul3A_174 : vector<32x2560xf32>
    %slice3A_176 = vector.extract_strided_slice %add3A_21 {offsets = [928, 0], sizes = [32, 2560], strides = [1, 1]} : vector<1024x2560xf32> to vector<32x2560xf32>
    %slice3A_177 = vector.extract_strided_slice %concatenate3A {offsets = [29, 0], sizes = [1, 2560], strides = [1, 1]} : vector<32x2560xf32> to vector<1x2560xf32>
    %mul3A_178 = vector.broadcast %slice3A_177 : vector<1x2560xf32> to vector<32x2560xf32>
    %mul3A_179 = arith.mulf %slice3A_176, %mul3A_178 : vector<32x2560xf32>
    %add3A_180 = arith.addf %add3A_175, %mul3A_179 : vector<32x2560xf32>
    %slice3A_181 = vector.extract_strided_slice %add3A_21 {offsets = [960, 0], sizes = [32, 2560], strides = [1, 1]} : vector<1024x2560xf32> to vector<32x2560xf32>
    %slice3A_182 = vector.extract_strided_slice %concatenate3A {offsets = [30, 0], sizes = [1, 2560], strides = [1, 1]} : vector<32x2560xf32> to vector<1x2560xf32>
    %mul3A_183 = vector.broadcast %slice3A_182 : vector<1x2560xf32> to vector<32x2560xf32>
    %mul3A_184 = arith.mulf %slice3A_181, %mul3A_183 : vector<32x2560xf32>
    %add3A_185 = arith.addf %add3A_180, %mul3A_184 : vector<32x2560xf32>
    %slice3A_186 = vector.extract_strided_slice %add3A_21 {offsets = [992, 0], sizes = [32, 2560], strides = [1, 1]} : vector<1024x2560xf32> to vector<32x2560xf32>
    %slice3A_187 = vector.extract_strided_slice %concatenate3A {offsets = [31, 0], sizes = [1, 2560], strides = [1, 1]} : vector<32x2560xf32> to vector<1x2560xf32>
    %mul3A_188 = vector.broadcast %slice3A_187 : vector<1x2560xf32> to vector<32x2560xf32>
    %mul3A_189 = arith.mulf %slice3A_186, %mul3A_188 : vector<32x2560xf32>
    %add3A_190 = arith.addf %add3A_185, %mul3A_189 : vector<32x2560xf32>
    %slice3A_191 = vector.extract_strided_slice %add3A_190 {offsets = [0, 0], sizes = [32, 640], strides = [1, 1]} : vector<32x2560xf32> to vector<32x640xf32>
    %transpose3A_192 = tpu.transpose %slice3A_191, [1, 0] : vector<32x640xf32> -> vector<640x32xf32>
    %slice3A_193 = vector.extract_strided_slice %add3A_190 {offsets = [0, 640], sizes = [32, 640], strides = [1, 1]} : vector<32x2560xf32> to vector<32x640xf32>
    %transpose3A_194 = tpu.transpose %slice3A_193, [1, 0] : vector<32x640xf32> -> vector<640x32xf32>
    %slice3A_195 = vector.extract_strided_slice %add3A_190 {offsets = [0, 1280], sizes = [32, 640], strides = [1, 1]} : vector<32x2560xf32> to vector<32x640xf32>
    %transpose3A_196 = tpu.transpose %slice3A_195, [1, 0] : vector<32x640xf32> -> vector<640x32xf32>
    %slice3A_197 = vector.extract_strided_slice %add3A_190 {offsets = [0, 1920], sizes = [32, 640], strides = [1, 1]} : vector<32x2560xf32> to vector<32x640xf32>
    %transpose3A_198 = tpu.transpose %slice3A_197, [1, 0] : vector<32x640xf32> -> vector<640x32xf32>
    %concatenate3A_199 = tpu.concatenate %transpose3A_192, %transpose3A_194, %transpose3A_196, %transpose3A_198 in 1 : vector<640x32xf32>, vector<640x32xf32>, vector<640x32xf32>, vector<640x32xf32> -> vector<640x128xf32>
    %swap3A = arith.constant 0 : index
    %swap3A_200 = arith.constant 0 : index
    %swap3A_201 = vector.load %arg7[%swap3A, %swap3A_200] : memref<640x128xf32, #tpu.memory_space<vmem>>, vector<640x128xf32>
    tpu.vector_store %arg7[%swap3A, %swap3A_200], %concatenate3A_199 {strides = array<i32>} : memref<640x128xf32, #tpu.memory_space<vmem>>, vector<640x128xf32>,
    return
  }
  func.func @transform_0(%arg0: i32) -> (i32, i32) {
    %c0_i32 = arith.constant 0 : i32
    %c0_i32_0 = arith.constant 0 : i32
    return %c0_i32, %arg0 : i32, i32
  }
  func.func @transform_1(%arg0: i32) -> (i32, i32) {
    %c0_i32 = arith.constant 0 : i32
    %c0_i32_0 = arith.constant 0 : i32
    return %arg0, %c0_i32 : i32, i32
  }
  func.func @transform_2(%arg0: i32) -> (i32, i32) {
    %c0_i32 = arith.constant 0 : i32
    %c0_i32_0 = arith.constant 0 : i32
    %c0_i32_1 = arith.constant 0 : i32
    return %c0_i32, %c0_i32_0 : i32, i32
  }
  func.func @transform_3(%arg0: i32) -> (i32, i32) {
    %c0_i32 = arith.constant 0 : i32
    %c0_i32_0 = arith.constant 0 : i32
    %c0_i32_1 = arith.constant 0 : i32
    return %c0_i32, %c0_i32_0 : i32, i32
  }
  func.func @transform_4(%arg0: i32) -> (i32, i32) {
    %c0_i32 = arith.constant 0 : i32
    %c0_i32_0 = arith.constant 0 : i32
    %c0_i32_1 = arith.constant 0 : i32
    return %c0_i32, %c0_i32_0 : i32, i32
  }
  func.func @transform_5(%arg0: i32) -> (i32, i32) {
    %c0_i32 = arith.constant 0 : i32
    %c0_i32_0 = arith.constant 0 : i32
    %c0_i32_1 = arith.constant 0 : i32
    return %c0_i32, %c0_i32_0 : i32, i32
  }
  func.func @transform_6(%arg0: i32) -> (i32, i32) {
    %c0_i32 = arith.constant 0 : i32
    %c0_i32_0 = arith.constant 0 : i32
    return %arg0, %c0_i32 : i32, i32
  }
}

module attributes {stable_mosaic.version = 14 : i64} {
  func.func @_final_body(%arg0: i32, %arg1: memref<2x1000x32xf32, #tpu.memory_space<vmem>>, %arg2: memref<2x1000x8xf32, #tpu.memory_space<vmem>>, %arg3: memref<1000x32xf32, #tpu.memory_space<vmem>>, %arg4: memref<32x32xf32, #tpu.memory_space<vmem>>, %arg5: memref<1x32xf32, #tpu.memory_space<vmem>>, %arg6: memref<1000x32xf32, #tpu.memory_space<vmem>>) attributes {dimension_semantics = [#tpu.dimension_semantics<arbitrary>], iteration_bounds = array<i64: 10>, scalar_prefetch = 0 : i64, scratch_operands = 0 : i64, tpu.core_type = #tpu.core_type<tc>, window_params = [{transform_indices = @transform_0, window_bounds = array<i64: 2, 1000, 32>}, {transform_indices = @transform_1, window_bounds = array<i64: 2, 1000, 8>}, {transform_indices = @transform_2, window_bounds = array<i64: 1000, 32>}, {pipeline_mode = #tpu.pipeline_mode<synchronous>, transform_indices = @transform_3, window_bounds = array<i64: 32, 32>}, {pipeline_mode = #tpu.pipeline_mode<synchronous>, transform_indices = @transform_4, window_bounds = array<i64: 1, 32>}, {transform_indices = @transform_5, window_bounds = array<i64: 1000, 32>}]} {
    %get3A = arith.constant 0 : index
    %get3A_0 = arith.constant 0 : index
    %get3A_1 = arith.constant 0 : index
    %get3A_2 = vector.load %arg1[%get3A, %get3A_0, %get3A_1] : memref<2x1000x32xf32, #tpu.memory_space<vmem>>, vector<1x1000x32xf32>
    %get3A_3 = vector.shape_cast %get3A_2 : vector<1x1000x32xf32> to vector<1000x32xf32>
    %get3A_4 = arith.constant 1 : index
    %get3A_5 = arith.constant 0 : index
    %get3A_6 = arith.constant 0 : index
    %get3A_7 = vector.load %arg1[%get3A_4, %get3A_5, %get3A_6] : memref<2x1000x32xf32, #tpu.memory_space<vmem>>, vector<1x1000x32xf32>
    %get3A_8 = vector.shape_cast %get3A_7 : vector<1x1000x32xf32> to vector<1000x32xf32>
    %add3A = arith.addf %get3A_3, %get3A_8 : vector<1000x32xf32>
    %get3A_9 = arith.constant 0 : index
    %get3A_10 = arith.constant 0 : index
    %get3A_11 = arith.constant 0 : index
    %get3A_12 = vector.load %arg2[%get3A_9, %get3A_10, %get3A_11] : memref<2x1000x8xf32, #tpu.memory_space<vmem>>, vector<1x1000x1xf32>
    %get3A_13 = vector.shape_cast %get3A_12 : vector<1x1000x1xf32> to vector<1000x1xf32>
    %get3A_14 = arith.constant 1 : index
    %get3A_15 = arith.constant 0 : index
    %get3A_16 = arith.constant 0 : index
    %get3A_17 = vector.load %arg2[%get3A_14, %get3A_15, %get3A_16] : memref<2x1000x8xf32, #tpu.memory_space<vmem>>, vector<1x1000x1xf32>
    %get3A_18 = vector.shape_cast %get3A_17 : vector<1x1000x1xf32> to vector<1000x1xf32>
    %add3A_19 = arith.addf %get3A_13, %get3A_18 : vector<1000x1xf32>
    %max3A = arith.constant 1.000000e+00 : f32
    %max3A_20 = vector.broadcast %max3A : f32 to vector<1000x1xf32>
    %max3A_21 = arith.maximumf %add3A_19, %max3A_20 : vector<1000x1xf32>
    %div3A = vector.broadcast %max3A_21 : vector<1000x1xf32> to vector<1000x32xf32>
    %div3A_22 = arith.divf %add3A, %div3A : vector<1000x32xf32>
    %get3A_23 = arith.constant 0 : index
    %get3A_24 = arith.constant 0 : index
    %get3A_25 = vector.load %arg3[%get3A_23, %get3A_24] : memref<1000x32xf32, #tpu.memory_space<vmem>>, vector<1000x32xf32>
    %get3A_26 = arith.constant 0 : index
    %get3A_27 = arith.constant 0 : index
    %get3A_28 = vector.load %arg4[%get3A_26, %get3A_27] : memref<32x32xf32, #tpu.memory_space<vmem>>, vector<32x32xf32>
    %dot_general3A = arith.constant dense<0.000000e+00> : vector<1000x32xf32>
    %dot_general3A_29 = tpu.matmul %get3A_25, %get3A_28, %dot_general3A {dimension_numbers = #tpu.dot_dimension_numbers<[1], [0], [0], [1], [0, 0, 1, 1], [], []>, transpose_lhs_hint = false} : vector<1000x32xf32>, vector<32x32xf32>, vector<1000x32xf32> -> vector<1000x32xf32>
    %add3A_30 = arith.addf %div3A_22, %dot_general3A_29 : vector<1000x32xf32>
    %get3A_31 = arith.constant 0 : index
    %get3A_32 = arith.constant 0 : index
    %get3A_33 = vector.load %arg5[%get3A_31, %get3A_32] : memref<1x32xf32, #tpu.memory_space<vmem>>, vector<1x32xf32>
    %add3A_34 = vector.broadcast %get3A_33 : vector<1x32xf32> to vector<1000x32xf32>
    %add3A_35 = arith.addf %add3A_30, %add3A_34 : vector<1000x32xf32>
    %gt3A = arith.constant 0.000000e+00 : f32
    %gt3A_36 = vector.broadcast %gt3A : f32 to vector<1000x32xf32>
    %gt3A_37 = arith.cmpf ogt, %add3A_35, %gt3A_36 : vector<1000x32xf32>
    %exp3A = math.exp %add3A_35 : vector<1000x32xf32>
    %sub3A = arith.constant 1.000000e+00 : f32
    %sub3A_38 = vector.broadcast %sub3A : f32 to vector<1000x32xf32>
    %sub3A_39 = arith.subf %exp3A, %sub3A_38 : vector<1000x32xf32>
    %select_n3A = arith.select %gt3A_37, %add3A_35, %sub3A_39 : vector<1000x32xi1>, vector<1000x32xf32>
    %swap3A = arith.constant 0 : index
    %swap3A_40 = arith.constant 0 : index
    %swap3A_41 = vector.load %arg6[%swap3A, %swap3A_40] : memref<1000x32xf32, #tpu.memory_space<vmem>>, vector<1000x32xf32>
    tpu.vector_store %arg6[%swap3A, %swap3A_40], %select_n3A {strides = array<i32>} : memref<1000x32xf32, #tpu.memory_space<vmem>>, vector<1000x32xf32>,
    return
  }
  func.func @transform_0(%arg0: i32) -> (i32, i32, i32) {
    %c0_i32 = arith.constant 0 : i32
    %c0_i32_0 = arith.constant 0 : i32
    %c0_i32_1 = arith.constant 0 : i32
    return %c0_i32, %arg0, %c0_i32_0 : i32, i32, i32
  }
  func.func @transform_1(%arg0: i32) -> (i32, i32, i32) {
    %c0_i32 = arith.constant 0 : i32
    %c0_i32_0 = arith.constant 0 : i32
    %c0_i32_1 = arith.constant 0 : i32
    return %c0_i32, %arg0, %c0_i32_0 : i32, i32, i32
  }
  func.func @transform_2(%arg0: i32) -> (i32, i32) {
    %c0_i32 = arith.constant 0 : i32
    %c0_i32_0 = arith.constant 0 : i32
    return %arg0, %c0_i32 : i32, i32
  }
  func.func @transform_3(%arg0: i32) -> (i32, i32) {
    %c0_i32 = arith.constant 0 : i32
    %c0_i32_0 = arith.constant 0 : i32
    %c0_i32_1 = arith.constant 0 : i32
    return %c0_i32, %c0_i32_0 : i32, i32
  }
  func.func @transform_4(%arg0: i32) -> (i32, i32) {
    %c0_i32 = arith.constant 0 : i32
    %c0_i32_0 = arith.constant 0 : i32
    %c0_i32_1 = arith.constant 0 : i32
    return %c0_i32, %c0_i32_0 : i32, i32
  }
  func.func @transform_5(%arg0: i32) -> (i32, i32) {
    %c0_i32 = arith.constant 0 : i32
    %c0_i32_0 = arith.constant 0 : i32
    return %arg0, %c0_i32 : i32, i32
  }
}

</mosaic_0001>

<sc_bundles>
// kernel: kernel.6.cloned.1.call-start
scs
__scs_entry_jumppad:
0x0: {  	(pc) =	sbr.rel $0x88, $3  }
0x1: {  	(tag) =	ssettag $0x0;
	lr =	simm.s32 $0x1  }
0x2: {  	[smem:$0x3F98] =	sst lr;
	_ =	strace $0xD0000000  }
0x3: {  	_ = 	snop  }
0x4: {  	_ = 	snop  }
0x5: {  	_ = 	snop  }
0x6: {  	_ = 	snop  }
0x7: {  	_ = 	snop  }
__scs_overlays_trampoline_lowered:
0x8: {  	[smem:$0x3FA7] =	sst s0  }
0x9: {  	[smem:$0x3FA8] =	sst s1  }
0xa: {  	[smem:$0x3FA9] =	sst s2  }
0xb: {  	[smem:$0x3FAA] =	sst s3  }
0xc: {  	[smem:$0x3FAB] =	sst s4  }
0xd: {  	[smem:$0x3FAC] =	sst s5  }
0xe: {  	[smem:$0x3FAD] =	sst s6  }
0xf: {  	[smem:$0x3FAE] =	sst s7  }
0x10: {  	[smem:$0x3FAF] =	sst s8  }
0x11: {  	[smem:$0x3FB0] =	sst s9;
	s0 =	simm.s32 @!p0 $0x0  }
0x12: {  	s1 =	sld [smem:$0x3F96];
	s0 =	simm.s32 @p0 $0x1  }
0x13: {  	[smem:$0x3FB1] =	sst s0;
	s0 =	simm.s32 @!p1 $0x0  }
0x14: {  	s2 =	sld [smem:$0x3F95];
	s0 =	simm.s32 @p1 $0x1  }
0x15: {  	[smem:$0x3FB2] =	sst s0;
	s0 =	simm.s32 @!p2 $0x0  }
0x16: {  	s3 =	sld [smem:$0x3FDB];
	s0 =	simm.s32 @p2 $0x1  }
0x17: {  	s4 =	simm.s32 $0x1BF5;
	[smem:$0x3FB4] =	sst s0  }
0x18: {  	s0 =	sld [smem:$0x3F97];
	_ =	swait.ge [sflag:s4], $0x0  }
0x19: {  	s7 =	sld [smem:$0x3F98]  }
0x1a: {  	s8 =	sadd.s32 $0xFFFFE003, lr  }
0x1b: {  	s9 =	sadd.s32 $0xFFFFFEF7, lr;
	s5 =	simm.s32 $0xFFFFFFFF;
	p2 =	slt.u32 s8, $0xFFFFF086  }
0x1c: {  	p1 =	slt.u32 s9, $0xF7A;
	s5 =	simm.s32 @!p2 $0x0  }
0x1d: {  	s5 =	simm.s32 @p1 $0x1;
	p0 =	seq.s32 s7, s2  }
0x1e: {  	s7 =	smul.u32 @!p0 $0xF7A, s2;
	p2 =	seq.s32 @!p0 s5, $0x0  }
0x1f: {  	s9 =	smul.u32 $0xF7A, s1;
	s8 =	simm.s32 @!p0 $0x1BF5;
	p2 =	por !p2, p0  }
0x20: {  	[sflag:s8] =	ssyncset.s32 @!p0 $0xFFFFF086;
	s6 =	sadd.s32 @!p0 s3, s7;
	s7 =	simm.s32 @!p0 $0x108  }
0x21: {  	s3 =	sadd.s32 s3, s9;
	s6 =	sadd.s32 @!p0 $0x88, s6;
	s7 =	simm.s32 @p2 $0x1082  }
0x22: {  	[simem:s7], [sflag:s8] =	dma.local @!p0 [hbm:s6], $0xF7A  }
0x23: {  	s9 =	sor.u32 $0xD0000000, s2;
	s6 =	simm.s32 $0x108;
	_ =	swait.ge @!p0 [sflag:s8], $0x0  }
0x24: {  	s3 =	sadd.s32 $0x88, s3;
	s6 =	simm.s32 @!p1 $0x1082;
	[sflag:s4] =	ssyncset.s32 $0xFFFFF086  }
0x25: {  	[simem:s6], [sflag:s4] =	dma.local [hbm:s3], $0xF7A  }
0x26: {  	[smem:$0x3F98] =	sst s1;
	(tag) =	ssettag s2;
	_ =	strace s9  }
0x27: {  	s1 =	sld [smem:$0x3FA8]  }
0x28: {  	s2 =	sld [smem:$0x3FA9]  }
0x29: {  	s4 =	sld [smem:$0x3FAB]  }
0x2a: {  	p0 =	seq.s32 s5, $0x0;
	s5 =	sld [smem:$0x3FAC]  }
0x2b: {  	s6 =	sld [smem:$0x3FAD]  }
0x2c: {  	s7 =	sld [smem:$0x3FAE]  }
0x2d: {  	s3 =	simm.s32 $0x108;
	s8 =	sld [smem:$0x3FAF]  }
0x2e: {  	s3 =	simm.s32 @!p0 $0x1082;
	s9 =	sld [smem:$0x3FB0]  }
0x2f: {  	lr =	sadd.s32 s0, s3;
	s0 =	sld [smem:$0x3FA7]  }
0x30: {  	s3 =	sld [smem:$0x3FAA]  }
0x31: {  	[smem:$0x3FB3] =	sst s10  }
0x32: {  	s10 =	sld [smem:$0x3FB1];
	_ =	sdelay $0x3  }
0x33: {  	p0 =	seq.s32 s10, $0x1;
	s10 =	sld [smem:$0x3FB3];
	_ =	sdelay $0x3  }
0x34: {  	[smem:$0x3FB3] =	sst s10  }
0x35: {  	s10 =	sld [smem:$0x3FB2];
	_ =	sdelay $0x3  }
0x36: {  	p1 =	seq.s32 s10, $0x1;
	s10 =	sld [smem:$0x3FB3];
	_ =	sdelay $0x3  }
0x37: {  	[smem:$0x3FB3] =	sst s10  }
0x38: {  	s10 =	sld [smem:$0x3FB4]  }
0x39: {  	_ = 	snop;
	(pc) =	sbr.ind lr, $3  }
0x3a: {  	_ = 	snop  }
0x3b: {  	_ = 	snop  }
0x3c: {  	p2 =	seq.s32 s10, $0x1;
	s10 =	sld [smem:$0x3FB3]  }
0x3d: {  	_ =	shalt  }
0x3e: {  	_ =	shalt  }
0x3f: {  	_ =	shalt  }
0x40: {  	_ =	shalt  }
0x41: {  	_ =	shalt  }
0x42: {  	_ =	shalt  }
0x43: {  	_ =	shalt  }
0x44: {  	_ =	shalt  }
0x45: {  	_ =	shalt  }
0x46: {  	_ =	shalt  }
0x47: {  	_ =	shalt  }
0x48: {  	_ =	shalt  }
0x49: {  	_ =	shalt  }
0x4a: {  	_ =	shalt  }
0x4b: {  	_ =	shalt  }
0x4c: {  	_ =	shalt  }
0x4d: {  	_ =	shalt  }
0x4e: {  	_ =	shalt  }
0x4f: {  	_ =	shalt  }
0x50: {  	_ =	shalt  }
0x51: {  	_ =	shalt  }
0x52: {  	_ =	shalt  }
0x53: {  	_ =	shalt  }
0x54: {  	_ =	shalt  }
0x55: {  	_ =	shalt  }
0x56: {  	_ =	shalt  }
0x57: {  	_ =	shalt  }
0x58: {  	_ =	shalt  }
0x59: {  	_ =	shalt  }
0x5a: {  	_ =	shalt  }
0x5b: {  	_ =	shalt  }
0x5c: {  	_ =	shalt  }
0x5d: {  	_ =	shalt  }
0x5e: {  	_ =	shalt  }
0x5f: {  	_ =	shalt  }
0x60: {  	_ =	shalt  }
0x61: {  	_ =	shalt  }
0x62: {  	_ =	shalt  }
0x63: {  	_ =	shalt  }
0x64: {  	_ =	shalt  }
0x65: {  	_ =	shalt  }
0x66: {  	_ =	shalt  }
0x67: {  	_ =	shalt  }
0x68: {  	_ =	shalt  }
0x69: {  	_ =	shalt  }
0x6a: {  	_ =	shalt  }
0x6b: {  	_ =	shalt  }
0x6c: {  	_ =	shalt  }
0x6d: {  	_ =	shalt  }
0x6e: {  	_ =	shalt  }
0x6f: {  	_ =	shalt  }
0x70: {  	_ =	shalt  }
0x71: {  	_ =	shalt  }
0x72: {  	_ =	shalt  }
0x73: {  	_ =	shalt  }
0x74: {  	_ =	shalt  }
0x75: {  	_ =	shalt  }
0x76: {  	_ =	shalt  }
0x77: {  	_ =	shalt  }
0x78: {  	_ =	shalt  }
0x79: {  	_ =	shalt  }
0x7a: {  	_ =	shalt  }
0x7b: {  	_ =	shalt  }
0x7c: {  	_ =	shalt  }
0x7d: {  	_ =	shalt  }
0x7e: {  	_ =	shalt  }
0x7f: {  	_ =	shalt  }
0x80: {  	_ =	shalt  }
0x81: {  	_ =	shalt  }
0x82: {  	_ =	shalt  }
0x83: {  	_ =	shalt  }
0x84: {  	_ =	shalt  }
0x85: {  	_ =	shalt  }
0x86: {  	_ =	shalt  }
0x87: {  	_ =	shalt  }
.Lfunc_end0:
.L_simem_size_0:
called_computation_lowered:
.L_overlay_start_0:
0x88: {  	s2 =	sld [smem:$0x3FD9]  }
0x89: {  	s3 =	sld [smem:$0x3FFE];
	_ =	sdelay $0x1  }
0x8a: {  	s1 =	srdreg.scid  }
0x8b: {  	s0 =	sand.u32 $0x1, s1  }
0x8c: {  	s17 =	sshll.u32 s0, $0xA;
	s2 =	sadd.s32 s3, s2  }
0x8d: {  	s2 =	sadd.s32 s2, s17  }
0x8e: {  	[smem:$0x3FBF] =	sst s2  }
0x8f: {  	_ = 	snop  }
0x90: {  	s2 =	sld [smem:$0x3FD0];
	(tm) =	ssettm $0x1  }
0x91: {  	s18 =	sld [smem:$0x3FFB];
	_ =	sdelay $0x3  }
0x92: {  	_ =	strace s18  }
0x93: {  	s3 =	sld [smem:$0x3FFC];
	_ =	sdelay $0x3  }
0x94: {  	_ =	strace s3  }
0x95: {  	s3 =	sld [smem:$0x3FFD];
	_ =	sdelay $0x3  }
0x96: {  	_ =	strace s3  }
0x97: {  	_ =	strace $0x8FFFFFFF  }
0x98: {  	s19 =	sld [smem:$0x3FDB];
	_ =	sdelay $0x1  }
0x99: {  	s4 =	simm.s32 $_scs_section_size  }
0x9a: {  	s5 =	simm.s32 $_size__tile_overlayer_lowered;
	s6 =	simm.s32 $_tile_overlayer_lowered  }
0x9b: {  	s22 =	simm.s32 $0x1BFF;
	s21 =	sshll.u32 s6, $0x1;
	s3 =	sadd.s32 s4, s19  }
0x9c: {  	s7 =	simm.s32 $0x0;
	s20 =	sshll.u32 s5, $0x1;
	s5 =	sadd.s32 s21, s3  }
0x9d: {  	[timem:s7], [sflag:s22] =	dma.local [hbm:s5], s20  }
0x9e: {  	_ =	swait.ge [sflag:s22], s20  }
0x9f: {  	s4 =	ssub.s32 $0x0, s20;
	[sflag:s22] =	ssyncset.done $0x0  }
0xa0: {  	[sflag:s22] =	ssyncadd.s32 s4;
	_ =	sdelay $0x1  }
0xa1: {  	s23 =	simm.s32 $0x1B8B  }
0xa2: {  	_ =	swait.ge [sflag:s23], $0x1  }
0xa3: {  	[sflag:s23] =	ssyncset.done $0x0  }
0xa4: {  	s25 =	simm.s32 $0x1B8E;
	s24 =	sld [smem:$0x3FFE];
	[sflag:s23] =	ssyncadd.s32 $0xFFFFFFFF  }
0xa5: {  	s26 =	simm.s32 $execute0_lowered;
	[smem:$0x3FD2] =	sst s25  }
0xa6: {  	s5 =	sshll.u32 s26, $0x1;
	_ =	strace $0x80000046;
	[dreg:$0x1] =	wrdreg $0xFFFFFFFF  }
0xa7: {  	s28 =	simm.s32 $_size_execute0_lowered;
	s3 =	sadd.s32 s3, s5;
	[dreg:$0x0] =	wrdreg $0x0  }
0xa8: {  	s5 =	sshll.u32 s28, $0x1;
	[dreg:$0x2] =	wrdreg s3  }
0xa9: {  	[dreg:$0x3] =	wrdreg s5  }
0xaa: {  	[dreg:$0x4] =	wrdreg $0xC0  }
0xab: {  	_ =	task [dreg:s7], $0x5FFFF  }
0xac: {  	[dreg:$0x1] =	wrdreg $0xFFFFFFFF  }
0xad: {  	[dreg:$0x0] =	wrdreg $0x60  }
0xae: {  	[dreg:$0x2] =	wrdreg s2  }
0xaf: {  	[dreg:$0x3] =	wrdreg s24  }
0xb0: {  	[dreg:$0x4] =	wrdreg $0x9  }
0xb1: {  	_ =	task.clear_ibuf [dreg:s7], $0x5FFFF;
	_ =	strace $0x90000046  }
0xb2: {  	s29 =	simm.s32 $0x9;
	_ =	strace $0x80000048  }
0xb3: {  	_ =	swait.ge [sflag:s29], $0x1  }
0xb4: {  	[sflag:s29] =	ssyncadd.s32 $0xFFFFFFFF  }
0xb5: {  	_ =	strace $0x90000048  }
0xb6: {  	_ =	sfence  }
0xb7: {  	s30 =	sld [smem:$0x0];
	_ =	sdelay $0x2  }
0xb8: {  	s31 =	sshll.u32 s1, $0xD;
	s1 =	sshrl.u32 s1, $0x2  }
0xb9: {  	s3 =	sand.u32 $0x4000, s31;
	s1 =	sadd.s32 s1, s30  }
0xba: {  	s0 =	sor.u32 s3, s0;
	s1 =	sshll.u32 s1, $0x11  }
0xbb: {  	s0 =	sor.u32 s1, s0  }
0xbc: {  	s0 =	sadd.s32 $0x8F2B, s0  }
0xbd: {  	[sflag:s0] =	ssyncadd.remote.s32 $0x1  }
0xbe: {  	_ =	sfence.sel $0xFFFF  }
0xbf: {  	[dreg:$0x0] =	wrdreg $0xFFFFFFFF;
	(pc) =	sbr.abs _section_cstart, $3  }
0xc0: {  	[dreg:$0x1] =	wrdreg $0xFFFFFFFF  }
0xc1: {  	_ =	task.clear_ibuf [dreg:s7], $0x2FFFF;
	_ =	strace $0x9FFFFFFF  }
0xc2: {  	(tm) =	ssettm $0x7FFFFFFF  }
0xc3: {  	_ =	shalt  }
tec
execute0_lowered:
.L_overlay_start_1:
0x0: {  	(tag) =	ssettag $0x1  }
0x1: {  	s2 =	rddreg [dreg:$0x0];
	s1 =	srdreg.scid  }
0x2: {  	s0 =	stileid.u32;
	s4 =	rddreg [dreg:$0x1];
	s3 =	simm.s32 $0x0  }
0x3: {  	s11 =	simm.s32 $0x0;
	s5 =	sand.u32 $0x1, s1;
	s1 =	rddreg [dreg:$0x2]  }
0x4: {  	s6 =	sshll.u32 s0, $0x1;
	[smem:$0x7FF] =	sst s3;
	s7 =	smul.u32 $0x13880, s0  }
0x5: {  	s6 =	sor.u32 s5, s6;
	s8 =	ssub.s32 $0x2, s5;
	s10 =	smul.u32 $0x9C40, s5  }
0x6: {  	_ =	strace $0x80000047;
	s6 =	smul.u32 $0x2710, s6;
	s9 =	sshrl.u32 s8, $0x1  }
0x7: {  	s30 =	sadd.s32 s7, s4;
	s7 =	simm.s32 $0x2;
	s31 =	ssub.s32 s8, s9  }
0x8: {  	s8 =	simm.s32 $0x50;
	s9 =	simm.s32 $0x2710;
	s6 =	sshrl.u32 s6, $0x3  }
0x9: {  	s5 =	smax.u32 s31, $0x1;
	s29 =	sadd.s32 s6, s4;
	s6 =	sadd.s32 s10, s30  }
0xa: {  	s10 =	simm.s32 $0x1;
	s4 =	sadd.s32 $0x2A400, s29;
	s6 =	sadd.s32 $0x3E000, s6  }
.LBB2_1:
0xb: {  	[tilespmem:s3], [sflag:$0x2] =	stream.linear.gather [hbm4b:s4+s3], $0x2710, $0x38;
	[tilespmem:$0x3110] =	vst v63  }
0xc: {  	_ =	swait.ge [sflag:s7], $0x2710  }
0xd: {  	[sflag:s7] =	ssyncset.done $0x0  }
0xe: {  	s12 =	simm.s32 $0x0;
	[sflag:s7] =	ssyncadd.s32 $0xFFFFD8F0  }
0xf: {  	[tilespmem:s9], [sflag:$0x1] =	stream.indirect.gather [hbm4b:s2+s8], $0x20, s12, s8, $0xb8;
	[tilespmem:$0x3110] =	vst v63  }
0x10: {  	_ =	swait.ge [sflag:s10], $0xA00  }
0x11: {  	[sflag:s10] =	ssyncset.done $0x0  }
0x12: {  	s31 =	sadd.s32 $0x0, s6;
	[sflag:s10] =	ssyncadd.s32 $0xFFFFF600  }
0x13: {  	[hbm4b:s31+s3] =	stream.linear.scatter [tilespmem:s9], [sflag:$0x2], $0xA00, $0x38;
	[tilespmem:$0x3110] =	vst v63  }
0x14: {  	_ =	swait.ge [sflag:s7], $0xA00  }
0x15: {  	s13 =	simm.s32 $0x280;
	s12 =	simm.s32 $0x140;
	[sflag:s7] =	ssyncset.done $0x0  }
.LBB2_2:
0x16: {  	s14 =	sshra.s32 s12, $0x2  }
0x17: {  	[sflag:s7] =	ssyncadd.s32 $0xFFFFF600;
	s15 =	smov.u32 s13;
	s16 =	sadd.s32 $0x140, s13  }
0x18: {  	[tilespmem:s9], [sflag:$0x1] =	stream.indirect.gather [hbm4b:s2+s8], $0x20, s14, s8, $0xb8;
	[tilespmem:$0x3110] =	vst v63  }
0x19: {  	p0 =	sne.s32 s13, $0x9B00;
	_ =	swait.ge [sflag:s10], $0xA00  }
.Ltmp0:
0x1a: {  	[sflag:s10] =	ssyncset.done $0x0;
	(pc) =	sbr.rel @p0 .LBB2_2-.Ltmp0, $4  }
0x1b: {  	s13 =	sadd.s32 s12, s6;
	s12 =	smov.u32 s15;
	[sflag:s10] =	ssyncadd.s32 $0xFFFFF600  }
0x1c: {  	[hbm4b:s13+s3] =	stream.linear.scatter [tilespmem:s9], [sflag:$0x2], $0xA00, $0x38;
	[tilespmem:$0x3110] =	vst v63  }
0x1d: {  	_ =	swait.ge [sflag:s7], $0xA00  }
0x1e: {  	s13 =	smov.u32 s16;
	[sflag:s7] =	ssyncset.done $0x0  }
0x1f: {  	s13 =	sshra.s32 s12, $0x2;
	[sflag:s7] =	ssyncadd.s32 $0xFFFFF600  }
0x20: {  	[tilespmem:s9], [sflag:$0x1] =	stream.indirect.gather [hbm4b:s2+s8], $0x20, s13, s8, $0xb8;
	[tilespmem:$0x3110] =	vst v63  }
0x21: {  	s11 =	sadd.s32 $0x1, s11;
	_ =	swait.ge [sflag:s10], $0xA00  }
0x22: {  	p0 =	sne.s32 s11, s5;
	[sflag:s10] =	ssyncset.done $0x0  }
.Ltmp1:
0x23: {  	s31 =	sadd.s32 s12, s6;
	[sflag:s10] =	ssyncadd.s32 $0xFFFFF600;
	(pc) =	sbr.rel @p0 .LBB2_1-.Ltmp1, $4  }
0x24: {  	[hbm4b:s31+s3] =	stream.linear.scatter [tilespmem:s9], [sflag:$0x2], $0xA00, $0x38;
	[tilespmem:$0x3110] =	vst v63  }
0x25: {  	_ =	swait.ge [sflag:s7], $0xA00  }
0x26: {  	[sflag:s7] =	ssyncset.done $0x0  }
0x27: {  	[sflag:s7] =	ssyncadd.s32 $0xFFFFF600  }
0x28: {  	_ =	sfence.sel $0x180000  }
0x29: {  	[bflag:$0x0] =	sbarrier.arrive $0xFFFF  }
0x2a: {  	p0 =	sne.s32 s0, $0x0;
	_ =	strace $0x90000047  }
0x2b: {  	s0 =	sadd.s32 @!p0 $0x100000, s1;
	[bflag:$0x2] =	sbarrier.arrive $0xFFFF  }
0x2c: {  	[sflag:s0] =	ssyncadd.tile.s32 @!p0 $0x1;
	_ =	shalt  }
.Lfunc_end2:
_tile_overlayer_lowered:
.L_overlay_start_2:
0x2d: {  	(tag) =	ssettag $0x2  }
0x2e: {  	s0 =	rddreg [dreg:$0x0];
	s2 =	stileid.u32  }
0x2f: {  	s1 =	rddreg [dreg:$0x1];
	p0 =	sne.s32 s2, $0x0  }
0x30: {  	s3 =	rddreg [dreg:$0x2];
	[bflag:$0x3] =	sbarrier.arrive $0xFFFF;
	s2 =	simm.s32 @!p0 $0x1C02  }
0x31: {  	[timem:s3], [sflag:s2] =	dma.local @!p0 [hbm:s0], s1  }
0x32: {  	s0 =	simm.s32 @!p0 $0x2  }
0x33: {  	_ =	swait.ge @!p0 [sflag:s0], s1  }
0x34: {  	s1 =	ssub.s32 @!p0 $0x0, s1;
	[sflag:s0] =	ssyncset.done @!p0 $0x0  }
0x35: {  	[sflag:s0] =	ssyncadd.s32 @!p0 s1  }
0x36: {  	[bflag:$0x3] =	sbarrier.arrive $0xFFFF  }
0x37: {  	_ =	shalt  }

// kernel: kernel.9.cloned.1.call-start
scs
__scs_entry_jumppad:
0x0: {  	(pc) =	sbr.rel $0x88, $3  }
0x1: {  	(tag) =	ssettag $0x0;
	lr =	simm.s32 $0x1  }
0x2: {  	[smem:$0x3F98] =	sst lr;
	_ =	strace $0xD0000000  }
0x3: {  	_ = 	snop  }
0x4: {  	_ = 	snop  }
0x5: {  	_ = 	snop  }
0x6: {  	_ = 	snop  }
0x7: {  	_ = 	snop  }
__scs_overlays_trampoline_lowered:
0x8: {  	[smem:$0x3FA7] =	sst s0  }
0x9: {  	[smem:$0x3FA8] =	sst s1  }
0xa: {  	[smem:$0x3FA9] =	sst s2  }
0xb: {  	[smem:$0x3FAA] =	sst s3  }
0xc: {  	[smem:$0x3FAB] =	sst s4  }
0xd: {  	[smem:$0x3FAC] =	sst s5  }
0xe: {  	[smem:$0x3FAD] =	sst s6  }
0xf: {  	[smem:$0x3FAE] =	sst s7  }
0x10: {  	[smem:$0x3FAF] =	sst s8  }
0x11: {  	[smem:$0x3FB0] =	sst s9;
	s0 =	simm.s32 @!p0 $0x0  }
0x12: {  	s1 =	sld [smem:$0x3F96];
	s0 =	simm.s32 @p0 $0x1  }
0x13: {  	[smem:$0x3FB1] =	sst s0;
	s0 =	simm.s32 @!p1 $0x0  }
0x14: {  	s2 =	sld [smem:$0x3F95];
	s0 =	simm.s32 @p1 $0x1  }
0x15: {  	[smem:$0x3FB2] =	sst s0;
	s0 =	simm.s32 @!p2 $0x0  }
0x16: {  	s3 =	sld [smem:$0x3FDB];
	s0 =	simm.s32 @p2 $0x1  }
0x17: {  	s4 =	simm.s32 $0x1BF5;
	[smem:$0x3FB4] =	sst s0  }
0x18: {  	s0 =	sld [smem:$0x3F97];
	_ =	swait.ge [sflag:s4], $0x0  }
0x19: {  	s7 =	sld [smem:$0x3F98]  }
0x1a: {  	s8 =	sadd.s32 $0xFFFFE003, lr  }
0x1b: {  	s9 =	sadd.s32 $0xFFFFFEF7, lr;
	s5 =	simm.s32 $0xFFFFFFFF;
	p2 =	slt.u32 s8, $0xFFFFF086  }
0x1c: {  	p1 =	slt.u32 s9, $0xF7A;
	s5 =	simm.s32 @!p2 $0x0  }
0x1d: {  	s5 =	simm.s32 @p1 $0x1;
	p0 =	seq.s32 s7, s2  }
0x1e: {  	s7 =	smul.u32 @!p0 $0xF7A, s2;
	p2 =	seq.s32 @!p0 s5, $0x0  }
0x1f: {  	s9 =	smul.u32 $0xF7A, s1;
	s8 =	simm.s32 @!p0 $0x1BF5;
	p2 =	por !p2, p0  }
0x20: {  	[sflag:s8] =	ssyncset.s32 @!p0 $0xFFFFF086;
	s6 =	sadd.s32 @!p0 s3, s7;
	s7 =	simm.s32 @!p0 $0x108  }
0x21: {  	s3 =	sadd.s32 s3, s9;
	s6 =	sadd.s32 @!p0 $0x88, s6;
	s7 =	simm.s32 @p2 $0x1082  }
0x22: {  	[simem:s7], [sflag:s8] =	dma.local @!p0 [hbm:s6], $0xF7A  }
0x23: {  	s9 =	sor.u32 $0xD0000000, s2;
	s6 =	simm.s32 $0x108;
	_ =	swait.ge @!p0 [sflag:s8], $0x0  }
0x24: {  	s3 =	sadd.s32 $0x88, s3;
	s6 =	simm.s32 @!p1 $0x1082;
	[sflag:s4] =	ssyncset.s32 $0xFFFFF086  }
0x25: {  	[simem:s6], [sflag:s4] =	dma.local [hbm:s3], $0xF7A  }
0x26: {  	[smem:$0x3F98] =	sst s1;
	(tag) =	ssettag s2;
	_ =	strace s9  }
0x27: {  	s1 =	sld [smem:$0x3FA8]  }
0x28: {  	s2 =	sld [smem:$0x3FA9]  }
0x29: {  	s4 =	sld [smem:$0x3FAB]  }
0x2a: {  	p0 =	seq.s32 s5, $0x0;
	s5 =	sld [smem:$0x3FAC]  }
0x2b: {  	s6 =	sld [smem:$0x3FAD]  }
0x2c: {  	s7 =	sld [smem:$0x3FAE]  }
0x2d: {  	s3 =	simm.s32 $0x108;
	s8 =	sld [smem:$0x3FAF]  }
0x2e: {  	s3 =	simm.s32 @!p0 $0x1082;
	s9 =	sld [smem:$0x3FB0]  }
0x2f: {  	lr =	sadd.s32 s0, s3;
	s0 =	sld [smem:$0x3FA7]  }
0x30: {  	s3 =	sld [smem:$0x3FAA]  }
0x31: {  	[smem:$0x3FB3] =	sst s10  }
0x32: {  	s10 =	sld [smem:$0x3FB1];
	_ =	sdelay $0x3  }
0x33: {  	p0 =	seq.s32 s10, $0x1;
	s10 =	sld [smem:$0x3FB3];
	_ =	sdelay $0x3  }
0x34: {  	[smem:$0x3FB3] =	sst s10  }
0x35: {  	s10 =	sld [smem:$0x3FB2];
	_ =	sdelay $0x3  }
0x36: {  	p1 =	seq.s32 s10, $0x1;
	s10 =	sld [smem:$0x3FB3];
	_ =	sdelay $0x3  }
0x37: {  	[smem:$0x3FB3] =	sst s10  }
0x38: {  	s10 =	sld [smem:$0x3FB4]  }
0x39: {  	_ = 	snop;
	(pc) =	sbr.ind lr, $3  }
0x3a: {  	_ = 	snop  }
0x3b: {  	_ = 	snop  }
0x3c: {  	p2 =	seq.s32 s10, $0x1;
	s10 =	sld [smem:$0x3FB3]  }
0x3d: {  	_ =	shalt  }
0x3e: {  	_ =	shalt  }
0x3f: {  	_ =	shalt  }
0x40: {  	_ =	shalt  }
0x41: {  	_ =	shalt  }
0x42: {  	_ =	shalt  }
0x43: {  	_ =	shalt  }
0x44: {  	_ =	shalt  }
0x45: {  	_ =	shalt  }
0x46: {  	_ =	shalt  }
0x47: {  	_ =	shalt  }
0x48: {  	_ =	shalt  }
0x49: {  	_ =	shalt  }
0x4a: {  	_ =	shalt  }
0x4b: {  	_ =	shalt  }
0x4c: {  	_ =	shalt  }
0x4d: {  	_ =	shalt  }
0x4e: {  	_ =	shalt  }
0x4f: {  	_ =	shalt  }
0x50: {  	_ =	shalt  }
0x51: {  	_ =	shalt  }
0x52: {  	_ =	shalt  }
0x53: {  	_ =	shalt  }
0x54: {  	_ =	shalt  }
0x55: {  	_ =	shalt  }
0x56: {  	_ =	shalt  }
0x57: {  	_ =	shalt  }
0x58: {  	_ =	shalt  }
0x59: {  	_ =	shalt  }
0x5a: {  	_ =	shalt  }
0x5b: {  	_ =	shalt  }
0x5c: {  	_ =	shalt  }
0x5d: {  	_ =	shalt  }
0x5e: {  	_ =	shalt  }
0x5f: {  	_ =	shalt  }
0x60: {  	_ =	shalt  }
0x61: {  	_ =	shalt  }
0x62: {  	_ =	shalt  }
0x63: {  	_ =	shalt  }
0x64: {  	_ =	shalt  }
0x65: {  	_ =	shalt  }
0x66: {  	_ =	shalt  }
0x67: {  	_ =	shalt  }
0x68: {  	_ =	shalt  }
0x69: {  	_ =	shalt  }
0x6a: {  	_ =	shalt  }
0x6b: {  	_ =	shalt  }
0x6c: {  	_ =	shalt  }
0x6d: {  	_ =	shalt  }
0x6e: {  	_ =	shalt  }
0x6f: {  	_ =	shalt  }
0x70: {  	_ =	shalt  }
0x71: {  	_ =	shalt  }
0x72: {  	_ =	shalt  }
0x73: {  	_ =	shalt  }
0x74: {  	_ =	shalt  }
0x75: {  	_ =	shalt  }
0x76: {  	_ =	shalt  }
0x77: {  	_ =	shalt  }
0x78: {  	_ =	shalt  }
0x79: {  	_ =	shalt  }
0x7a: {  	_ =	shalt  }
0x7b: {  	_ =	shalt  }
0x7c: {  	_ =	shalt  }
0x7d: {  	_ =	shalt  }
0x7e: {  	_ =	shalt  }
0x7f: {  	_ =	shalt  }
0x80: {  	_ =	shalt  }
0x81: {  	_ =	shalt  }
0x82: {  	_ =	shalt  }
0x83: {  	_ =	shalt  }
0x84: {  	_ =	shalt  }
0x85: {  	_ =	shalt  }
0x86: {  	_ =	shalt  }
0x87: {  	_ =	shalt  }
.Lfunc_end0:
.L_simem_size_0:
called_computation.1_lowered:
.L_overlay_start_0:
0x88: {  	s2 =	sld [smem:$0x3FD9]  }
0x89: {  	s3 =	sld [smem:$0x3FFE];
	_ =	sdelay $0x1  }
0x8a: {  	s1 =	srdreg.scid  }
0x8b: {  	s0 =	sand.u32 $0x1, s1  }
0x8c: {  	s17 =	sshll.u32 s0, $0xA;
	s2 =	sadd.s32 s3, s2  }
0x8d: {  	s2 =	sadd.s32 s2, s17  }
0x8e: {  	[smem:$0x3FBF] =	sst s2  }
0x8f: {  	_ = 	snop  }
0x90: {  	s2 =	sld [smem:$0x3FD0];
	(tm) =	ssettm $0x1  }
0x91: {  	s18 =	sld [smem:$0x3FFB];
	_ =	sdelay $0x3  }
0x92: {  	_ =	strace s18  }
0x93: {  	s3 =	sld [smem:$0x3FFC];
	_ =	sdelay $0x3  }
0x94: {  	_ =	strace s3  }
0x95: {  	s3 =	sld [smem:$0x3FFD];
	_ =	sdelay $0x3  }
0x96: {  	_ =	strace s3  }
0x97: {  	_ =	strace $0x8FFFFFFF  }
0x98: {  	s19 =	sld [smem:$0x3FDB];
	_ =	sdelay $0x1  }
0x99: {  	s4 =	simm.s32 $_scs_section_size  }
0x9a: {  	s5 =	simm.s32 $_size__tile_overlayer_lowered;
	s6 =	simm.s32 $_tile_overlayer_lowered  }
0x9b: {  	s22 =	simm.s32 $0x1BFF;
	s21 =	sshll.u32 s6, $0x1;
	s3 =	sadd.s32 s4, s19  }
0x9c: {  	s7 =	simm.s32 $0x0;
	s20 =	sshll.u32 s5, $0x1;
	s5 =	sadd.s32 s21, s3  }
0x9d: {  	[timem:s7], [sflag:s22] =	dma.local [hbm:s5], s20  }
0x9e: {  	_ =	swait.ge [sflag:s22], s20  }
0x9f: {  	s4 =	ssub.s32 $0x0, s20;
	[sflag:s22] =	ssyncset.done $0x0  }
0xa0: {  	[sflag:s22] =	ssyncadd.s32 s4;
	_ =	sdelay $0x1  }
0xa1: {  	s23 =	simm.s32 $0x1B8B  }
0xa2: {  	_ =	swait.ge [sflag:s23], $0x1  }
0xa3: {  	[sflag:s23] =	ssyncset.done $0x0  }
0xa4: {  	s25 =	simm.s32 $0x1B8E;
	s24 =	sld [smem:$0x3FFE];
	[sflag:s23] =	ssyncadd.s32 $0xFFFFFFFF  }
0xa5: {  	s26 =	simm.s32 $execute0_lowered;
	[smem:$0x3FD2] =	sst s25  }
0xa6: {  	s5 =	sshll.u32 s26, $0x1;
	_ =	strace $0x80000049;
	[dreg:$0x1] =	wrdreg $0xFFFFFFFF  }
0xa7: {  	s28 =	simm.s32 $_size_execute0_lowered;
	s3 =	sadd.s32 s3, s5;
	[dreg:$0x0] =	wrdreg $0x0  }
0xa8: {  	s5 =	sshll.u32 s28, $0x1;
	[dreg:$0x2] =	wrdreg s3  }
0xa9: {  	[dreg:$0x3] =	wrdreg s5  }
0xaa: {  	[dreg:$0x4] =	wrdreg $0xC0  }
0xab: {  	_ =	task [dreg:s7], $0x5FFFF  }
0xac: {  	[dreg:$0x1] =	wrdreg $0xFFFFFFFF  }
0xad: {  	[dreg:$0x0] =	wrdreg $0x60  }
0xae: {  	[dreg:$0x2] =	wrdreg s24  }
0xaf: {  	[dreg:$0x3] =	wrdreg s2  }
0xb0: {  	[dreg:$0x4] =	wrdreg $0x0  }
0xb1: {  	[dreg:$0x5] =	wrdreg $0x4E200  }
0xb2: {  	[dreg:$0x6] =	wrdreg $0x9  }
0xb3: {  	_ =	task.clear_ibuf [dreg:s7], $0x7FFFF;
	_ =	strace $0x90000049  }
0xb4: {  	s29 =	simm.s32 $0x9;
	_ =	strace $0x8000004B  }
0xb5: {  	_ =	swait.ge [sflag:s29], $0x1  }
0xb6: {  	[sflag:s29] =	ssyncadd.s32 $0xFFFFFFFF  }
0xb7: {  	_ =	strace $0x9000004B  }
0xb8: {  	_ =	sfence  }
0xb9: {  	s30 =	sld [smem:$0x0];
	_ =	sdelay $0x2  }
0xba: {  	s31 =	sshll.u32 s1, $0xD;
	s1 =	sshrl.u32 s1, $0x2  }
0xbb: {  	s3 =	sand.u32 $0x4000, s31;
	s1 =	sadd.s32 s1, s30  }
0xbc: {  	s0 =	sor.u32 s3, s0;
	s1 =	sshll.u32 s1, $0x11  }
0xbd: {  	s0 =	sor.u32 s1, s0  }
0xbe: {  	s0 =	sadd.s32 $0x8F2B, s0  }
0xbf: {  	[sflag:s0] =	ssyncadd.remote.s32 $0x1  }
0xc0: {  	_ =	sfence.sel $0xFFFF  }
0xc1: {  	[dreg:$0x0] =	wrdreg $0xFFFFFFFF;
	(pc) =	sbr.abs _section_cstart, $3  }
0xc2: {  	[dreg:$0x1] =	wrdreg $0xFFFFFFFF  }
0xc3: {  	_ =	task.clear_ibuf [dreg:s7], $0x2FFFF;
	_ =	strace $0x9FFFFFFF  }
0xc4: {  	(tm) =	ssettm $0x7FFFFFFF  }
0xc5: {  	_ =	shalt  }
tec
execute0_lowered:
.L_overlay_start_1:
0x0: {  	(tag) =	ssettag $0x1  }
0x1: {  	s6 =	rddreg [dreg:$0x0]  }
0x2: {  	s7 =	rddreg [dreg:$0x1]  }
0x3: {  	s1 =	srdreg.scid;
	s2 =	rddreg [dreg:$0x2]  }
0x4: {  	s0 =	stileid.u32;
	s3 =	rddreg [dreg:$0x3];
	s4 =	simm.s32 $0x0  }
0x5: {  	s18 =	simm.s32 $0x50;
	s5 =	sand.u32 $0x1, s1;
	s9 =	smul.u32 $0x1388, s0  }
0x6: {  	s25 =	sshll.u32 s0, $0x1;
	s1 =	rddreg [dreg:$0x4];
	s15 =	smul.u32 $0x4E20, s0  }
0x7: {  	[smem:$0x7FF] =	sst s4;
	s29 =	sshll.u32 s0, $0x6;
	s30 =	smul.u32 $0x13880, s0  }
0x8: {  	s8 =	sor.u32 s5, s25;
	_ =	strace $0x8000004A;
	s26 =	smul.u32 $0x9C40, s5  }
0x9: {  	s12 =	smul.u32 $0x2710, s5;
	s13 =	ssub.s32 $0x2, s5;
	s5 =	sadd.s32 $0x2CC00, s6  }
0xa: {  	s8 =	smul.u32 $0x2710, s8;
	s20 =	sshrl.u32 s9, $0x3;
	s14 =	sshrl.u32 s13, $0x1  }
0xb: {  	s28 =	sadd.s32 s15, s2;
	s19 =	sshrl.u32 s15, $0x3;
	s17 =	sadd.s32 s9, s3  }
0xc: {  	s15 =	simm.s32 $0x61A8;
	s11 =	sadd.s32 s20, s6;
	s16 =	sadd.s32 s26, s6  }
0xd: {  	s12 =	sadd.s32 s12, s6;
	s13 =	ssub.s32 s13, s14;
	s14 =	sshrl.u32 s17, $0x3  }
0xe: {  	s17 =	simm.s32 $0x88B8;
	s8 =	sshrl.u32 s8, $0x3;
	s21 =	sadd.s32 $0x3E000, s16  }
0xf: {  	s22 =	sadd.s32 $0x2CE00, s12;
	s31 =	sadd.s32 s30, s16;
	s12 =	sshrl.u32 s28, $0x3  }
0x10: {  	s16 =	simm.s32 $0x92B8;
	s10 =	sadd.s32 s8, s6;
	s6 =	sadd.s32 s7, s19  }
0x11: {  	s7 =	sor.u32 $0x1C01, s29;
	s8 =	sadd.s32 $0x2A400, s11;
	s11 =	sadd.s32 $0x176800, s31  }
0x12: {  	s19 =	sadd.s32 s19, s21;
	s20 =	sadd.s32 s20, s22;
	s21 =	simm.s32 $0x0  }
0x13: {  	s9 =	sadd.s32 $0x34200, s10;
	s10 =	smax.u32 s13, $0x1;
	s13 =	simm.s32 $0x1  }
.LBB2_1:
0x14: {  	[spmem:s12], [sflag:s7] =	dma.local [hbm:s6], $0x9C4  }
0x15: {  	_ =	swait.ge [sflag:s13], $0x9C4  }
0x16: {  	[sflag:s13] =	ssyncset.done $0x0  }
0x17: {  	[sflag:s13] =	ssyncadd.s32 $0xFFFFF63C  }
0x18: {  	[spmem:s14], [sflag:s7] =	dma.local [hbm:s8], $0x271  }
0x19: {  	_ =	swait.ge [sflag:s13], $0x271  }
0x1a: {  	[sflag:s13] =	ssyncset.done $0x0  }
0x1b: {  	[sflag:s13] =	ssyncadd.s32 $0xFFFFFD8F  }
0x1c: {  	[bflag:$0x0] =	sbarrier.arrive $0xFFFF  }
0x1d: {  	[tilespmem:s15], [sflag:$0x1] =	stream.linear.gather [hbm4b:s9+s4], $0x2710, $0x38;
	[tilespmem:$0x9538] =	vst v63  }
0x1e: {  	_ =	swait.ge [sflag:s13], $0x2710  }
0x1f: {  	[sflag:s13] =	ssyncset.done $0x0  }
0x20: {  	[sflag:s13] =	ssyncadd.s32 $0xFFFFD8F0  }
0x21: {  	[tilespmem:s16], [sflag:$0x1] =	stream.linear.gather [hbm4b:s5+s4], $0x280, $0x38;
	[tilespmem:$0x9538] =	vst v63  }
0x22: {  	_ =	swait.ge [sflag:s13], $0x280  }
0x23: {  	[sflag:s13] =	ssyncset.done $0x0  }
0x24: {  	s22 =	sadd.s32 $0x0, s11;
	[sflag:s13] =	ssyncadd.s32 $0xFFFFFD80  }
0x25: {  	[tilespmem:s17], [sflag:$0x1] =	stream.linear.gather [hbm4b:s22+s4], $0xA00, $0x38;
	[tilespmem:$0x9538] =	vst v63  }
0x26: {  	_ =	swait.ge [sflag:s13], $0xA00  }
0x27: {  	[sflag:s13] =	ssyncset.done $0x0  }
0x28: {  	s31 =	simm.s32 $0x61A8;
	[sflag:s13] =	ssyncadd.s32 $0xFFFFF600  }
0x29: {  	[spmem:s2] =	stream.indirect.scatter.add.f32 [tilespmem:s17], [sflag:$0x1], $0x20, s31, s18, $0xb8;
	[tilespmem:$0x9538] =	vst v63  }
0x2a: {  	_ =	swait.ge [sflag:s13], $0xA00  }
0x2b: {  	[sflag:s13] =	ssyncset.done $0x0  }
0x2c: {  	[sflag:s13] =	ssyncadd.s32 $0xFFFFF600  }
0x2d: {  	[spmem:s3] =	stream.indirect.scatter.add.f32 [tilespmem:s16], [sflag:$0x1], $0x8, s31, s18, $0xb8;
	[tilespmem:$0x9538] =	vst v63  }
0x2e: {  	_ =	swait.ge [sflag:s13], $0x280  }
0x2f: {  	s23 =	simm.s32 $0x280;
	s22 =	simm.s32 $0x140;
	[sflag:s13] =	ssyncset.done $0x0  }
.LBB2_2:
0x30: {  	s24 =	sadd.s32 s22, s11  }
0x31: {  	[sflag:s13] =	ssyncadd.s32 $0xFFFFFD80;
	s25 =	smov.u32 s23;
	s26 =	sadd.s32 $0x140, s23  }
0x32: {  	[tilespmem:s17], [sflag:$0x1] =	stream.linear.gather [hbm4b:s24+s4], $0xA00, $0x38;
	[tilespmem:$0x9538] =	vst v63  }
0x33: {  	p0 =	sne.s32 s23, $0x9B00;
	_ =	swait.ge [sflag:s13], $0xA00  }
0x34: {  	s23 =	sshra.s32 s22, $0x2;
	s22 =	smov.u32 s25;
	[sflag:s13] =	ssyncset.done $0x0  }
0x35: {  	s23 =	sadd.s32 $0x61A8, s23;
	[sflag:s13] =	ssyncadd.s32 $0xFFFFF600  }
0x36: {  	[spmem:s2] =	stream.indirect.scatter.add.f32 [tilespmem:s17], [sflag:$0x1], $0x20, s23, s18, $0xb8;
	[tilespmem:$0x9538] =	vst v63  }
0x37: {  	_ =	swait.ge [sflag:s13], $0xA00  }
.Ltmp0:
0x38: {  	[sflag:s13] =	ssyncset.done $0x0;
	(pc) =	sbr.rel @p0 .LBB2_2-.Ltmp0, $4  }
0x39: {  	[sflag:s13] =	ssyncadd.s32 $0xFFFFF600  }
0x3a: {  	[spmem:s3] =	stream.indirect.scatter.add.f32 [tilespmem:s16], [sflag:$0x1], $0x8, s23, s18, $0xb8;
	[tilespmem:$0x9538] =	vst v63  }
0x3b: {  	_ =	swait.ge [sflag:s13], $0x280  }
0x3c: {  	s23 =	smov.u32 s26;
	[sflag:s13] =	ssyncset.done $0x0  }
0x3d: {  	s23 =	sadd.s32 s22, s11;
	[sflag:s13] =	ssyncadd.s32 $0xFFFFFD80  }
0x3e: {  	[tilespmem:s17], [sflag:$0x1] =	stream.linear.gather [hbm4b:s23+s4], $0xA00, $0x38;
	[tilespmem:$0x9538] =	vst v63  }
0x3f: {  	_ =	swait.ge [sflag:s13], $0xA00  }
0x40: {  	s31 =	sshra.s32 s22, $0x2;
	[sflag:s13] =	ssyncset.done $0x0  }
0x41: {  	s22 =	sadd.s32 $0x61A8, s31;
	[sflag:s13] =	ssyncadd.s32 $0xFFFFF600  }
0x42: {  	[spmem:s2] =	stream.indirect.scatter.add.f32 [tilespmem:s17], [sflag:$0x1], $0x20, s22, s18, $0xb8;
	[tilespmem:$0x9538] =	vst v63  }
0x43: {  	_ =	swait.ge [sflag:s13], $0xA00  }
0x44: {  	[sflag:s13] =	ssyncset.done $0x0  }
0x45: {  	[sflag:s13] =	ssyncadd.s32 $0xFFFFF600  }
0x46: {  	[spmem:s3] =	stream.indirect.scatter.add.f32 [tilespmem:s16], [sflag:$0x1], $0x8, s22, s18, $0xb8;
	[tilespmem:$0x9538] =	vst v63  }
0x47: {  	_ =	swait.ge [sflag:s13], $0x280  }
0x48: {  	[sflag:s13] =	ssyncset.done $0x0  }
0x49: {  	[sflag:s13] =	ssyncadd.s32 $0xFFFFFD80  }
0x4a: {  	[bflag:$0x0] =	sbarrier.arrive $0xFFFF  }
0x4b: {  	[hbm:s19], [sflag:s7] =	dma.local [spmem:s12], $0x9C4  }
0x4c: {  	s21 =	sadd.s32 $0x1, s21;
	_ =	swait.ge [sflag:s13], $0x9C4  }
0x4d: {  	p0 =	sne.s32 s21, s10;
	[sflag:s13] =	ssyncset.done $0x0  }
.Ltmp1:
0x4e: {  	[sflag:s13] =	ssyncadd.s32 $0xFFFFF63C;
	(pc) =	sbr.rel @p0 .LBB2_1-.Ltmp1, $4  }
0x4f: {  	[hbm:s20], [sflag:s7] =	dma.local [spmem:s14], $0x271  }
0x50: {  	_ =	swait.ge [sflag:s13], $0x271  }
0x51: {  	[sflag:s13] =	ssyncset.done $0x0  }
0x52: {  	[sflag:s13] =	ssyncadd.s32 $0xFFFFFD8F  }
0x53: {  	_ =	sfence.sel $0x180000  }
0x54: {  	[bflag:$0x0] =	sbarrier.arrive $0xFFFF  }
0x55: {  	p0 =	sne.s32 s0, $0x0;
	_ =	strace $0x9000004A  }
0x56: {  	s0 =	sadd.s32 @!p0 $0x100000, s1;
	[bflag:$0x2] =	sbarrier.arrive $0xFFFF  }
0x57: {  	[sflag:s0] =	ssyncadd.tile.s32 @!p0 $0x1;
	_ =	shalt  }
.Lfunc_end2:
_tile_overlayer_lowered:
.L_overlay_start_2:
0x58: {  	(tag) =	ssettag $0x2  }
0x59: {  	s0 =	rddreg [dreg:$0x0];
	s2 =	stileid.u32  }
0x5a: {  	s1 =	rddreg [dreg:$0x1];
	p0 =	sne.s32 s2, $0x0  }
0x5b: {  	s3 =	rddreg [dreg:$0x2];
	[bflag:$0x3] =	sbarrier.arrive $0xFFFF;
	s2 =	simm.s32 @!p0 $0x1C01  }
0x5c: {  	[timem:s3], [sflag:s2] =	dma.local @!p0 [hbm:s0], s1  }
0x5d: {  	s0 =	simm.s32 @!p0 $0x1  }
0x5e: {  	_ =	swait.ge @!p0 [sflag:s0], s1  }
0x5f: {  	s1 =	ssub.s32 @!p0 $0x0, s1;
	[sflag:s0] =	ssyncset.done @!p0 $0x0  }
0x60: {  	[sflag:s0] =	ssyncadd.s32 @!p0 s1  }
0x61: {  	[bflag:$0x3] =	sbarrier.arrive $0xFFFF  }
0x62: {  	_ =	shalt  }

</sc_bundles>
